<compile_context>
chip_gen: v7x
topology: tpu7x:2x2x1
jax: 0.10.2.dev20260603
libtpu: 0.0.44.dev20260713+nightly
codegen_flags: <defaults>
</compile_context>

<pallas_src>
import functools

import jax
import jax.numpy as jnp
from jax import lax
from jax.experimental import pallas as pl
from jax.experimental.pallas import tpu as pltpu
from jax.experimental.pallas import tpu_sc as plsc

B, T, D = 4, 256, 128
NPAD = 2568
NROWS = B * T * T
NC, NS = 2, 16
NW = NC * NS
ROWS_PER_W = NROWS // NW
CHUNK = 128
SUP = 128
GPB = SUP // CHUNK
NSUP = ROWS_PER_W // SUP
NBUF = 2
LOOPED = 64
TTILE = 856


def _tc_body(t_ref, tT_ref, x_ref, W_ref, b_ref, p_ref, ytab_ref, gidx_ref):
    bi = pl.program_id(0)
    delta = p_ref[0, 0, 0]
    tt0 = p_ref[0, 0, 1]
    ext = p_ref[0, 0, 2]

    tr = t_ref[0]
    xW = lax.dot_general(x_ref[0], W_ref[...],
                         (((1,), (1,)), ((), ())),
                         preferred_element_type=jnp.float32)
    dmax = (tr[0, T - 1] / jnp.float32(0.1)).astype(jnp.int32)

    for tile in range(NPAD // TTILE):
        base = tile * TTILE

        @pl.when(jnp.int32(base) <= dmax)
        def _tile():
            s = (lax.broadcasted_iota(jnp.int32, (TTILE, 1), 0)
                 + base).astype(jnp.float32) * delta
            cmp = (tr <= s).astype(jnp.int32)
            cnt = jnp.sum(cmp, axis=1, keepdims=True)
            cp = jnp.clip(cnt, 1, T - 1)
            kk = lax.broadcasted_iota(jnp.int32, (TTILE, T), 1)
            m1 = (kk == cp - 1).astype(jnp.float32)
            m2 = (kk == cp).astype(jnp.float32)
            t_prev = jnp.sum(m1 * tr, axis=1, keepdims=True)
            t_next = jnp.sum(m2 * tr, axis=1, keepdims=True)
            u = (s - t_prev) / (t_next - t_prev)
            u = jnp.minimum(u, 1.0)
            keep_neg = jnp.logical_and(ext > 0.0, s < tt0)
            u = jnp.where(keep_neg, u, jnp.maximum(u, 0.0))

            A = m1 + u * (m2 - m1)
            y = lax.dot_general(A, xW, (((1,), (0,)), ((), ())),
                                preferred_element_type=jnp.float32) + b_ref[0:1, :]
            ytab_ref[0, base:base + TTILE, :] = y

    tcol = tT_ref[0]
    it = tr + (tcol - tr) * jnp.float32(0.5)
    disc = (it / jnp.float32(0.1)).astype(jnp.int32)
    gidx_ref[0] = bi * NPAD + disc


def _make_table_and_idx(x, t, W, b, params):
    t3 = t.reshape(B, 1, T)
    tT = t.reshape(B, T, 1)
    b2 = b.reshape(1, D)
    p3 = params.reshape(B, 1, 8)
    return pl.pallas_call(
        _tc_body,
        grid=(B,),
        in_specs=[
            pl.BlockSpec((1, 1, T), lambda i: (i, 0, 0)),
            pl.BlockSpec((1, T, 1), lambda i: (i, 0, 0)),
            pl.BlockSpec((1, T, D), lambda i: (i, 0, 0)),
            pl.BlockSpec((D, D), lambda i: (0, 0)),
            pl.BlockSpec((1, D), lambda i: (0, 0)),
            pl.BlockSpec((1, 1, 8), lambda i: (i, 0, 0)),
        ],
        out_specs=[
            pl.BlockSpec((1, NPAD, D), lambda i: (i, 0, 0)),
            pl.BlockSpec((1, T, T), lambda i: (i, 0, 0)),
        ],
        out_shape=[
            jax.ShapeDtypeStruct((B, NPAD, D), jnp.float32),
            jax.ShapeDtypeStruct((B, T, T), jnp.int32),
        ],
    )(t3, tT, x, W, b2, p3)


@functools.partial(
    pl.kernel,
    mesh=plsc.VectorSubcoreMesh(core_axis_name="c", subcore_axis_name="s"),
    out_type=jax.ShapeDtypeStruct((NROWS, D), jnp.float32),
    scratch_types=[
        pltpu.VMEM((ROWS_PER_W,), jnp.int32),
        pltpu.VMEM_SHARED((B * NPAD, D), jnp.float32),
    ] + [pltpu.VMEM((SUP, D), jnp.float32)] * NBUF
      + [pltpu.SemaphoreType.DMA] * (2 * NBUF),
)
def _sc_gather(ytab_hbm, gidx_hbm, out_hbm, idx_all, stab, *bufsems):
    rows = bufsems[:NBUF]
    gsem = bufsems[NBUF:2 * NBUF]
    wsem = bufsems[2 * NBUF:]
    sid = lax.axis_index("s")
    wid = sid * NC + lax.axis_index("c")
    wbase = wid * ROWS_PER_W

    pltpu.sync_copy(ytab_hbm.at[pl.ds(sid * 640, 640)],
                    stab.at[pl.ds(sid * 640, 640)])

    @pl.when(sid == NS - 1)
    def _tail():
        pltpu.sync_copy(ytab_hbm.at[pl.ds(NS * 640, B * NPAD - NS * 640)],
                        stab.at[pl.ds(NS * 640, B * NPAD - NS * 640)])
    pltpu.sync_copy(gidx_hbm.at[pl.ds(wbase, ROWS_PER_W)], idx_all)
    plsc.subcore_barrier()

    def fire_gathers(s, kb):
        for h in range(GPB):
            pltpu.async_copy(
                stab.at[idx_all.at[pl.ds(s * SUP + h * CHUNK, CHUNK)]],
                rows[kb].at[pl.ds(h * CHUNK, CHUNK)],
                gsem[kb])

    def drain(sem, kb):
        pltpu.make_async_copy(ytab_hbm.at[pl.ds(0, SUP)], rows[kb], sem).wait()

    def fire_wb(s, kb):
        pltpu.async_copy(rows[kb],
                         out_hbm.at[pl.ds(wbase + s * SUP, SUP)],
                         wsem[kb])

    def step(s, k):
        drain(gsem[k], k)
        kn = (k + NBUF - 1) % NBUF

        @pl.when(s + NBUF - 1 < NSUP)
        def _fire_next():
            @pl.when(s >= 1)
            def _wait_buf():
                drain(wsem[kn], kn)
            fire_gathers(s + NBUF - 1, kn)

        fire_wb(s, k)

    for k in range(NBUF - 1):
        fire_gathers(k, k)

    def body(o, carry):
        for k in range(NBUF):
            step(o * NBUF + k, k)
        return carry

    lax.fori_loop(0, LOOPED // NBUF, body, 0)
    for s in range(LOOPED, NSUP):
        step(s, s % NBUF)
    for k in range(NBUF):
        drain(wsem[k], k)


def kernel(x, t, W, b):
    t = t.astype(jnp.float32)
    x = x.astype(jnp.float32)
    tmax = jnp.max(t)
    a8 = 8.0 * tmax
    a2 = 2.0 * tmax
    f8 = jnp.floor(a8)
    f2 = jnp.floor(a2)
    N = (f8 + f2 + jnp.floor((a8 - f8) + (a2 - f2))).astype(jnp.int32) + 6
    delta = (tmax + 5 * 0.1) / (N - 1).astype(jnp.float32)
    tt0 = jnp.min(t)
    ext = (t[:, 0] == tt0).astype(jnp.float32)
    params = jnp.stack(
        [jnp.full((B,), delta), jnp.full((B,), tt0), ext] + [jnp.zeros((B,))] * 5,
        axis=1,
    ).astype(jnp.float32)

    ytab, gidx = _make_table_and_idx(x, t, W, b, params)
    out = _sc_gather(ytab.reshape(B * NPAD, D), gidx.reshape(NROWS))
    return out.reshape(B, T, T, 1, D)

# --- scband reference (transcript-rebuilt; emitter-appended) ---
"""Pipeline reference for scband-interp-linear-26456998543795 (READ-ONLY COPY).

The authoritative reference and input builder live on the scoring server;
editing this copy changes nothing except your own understanding.
"""

import jax, jax.numpy as jnp
import numpy as np

D_MODEL = 128
ATOL = 0.1
GAUSS_W = np.array([2.0], dtype=np.float32)   # gauss_weight[nlinspace=1]
GAUSS_X = np.array([0.0], dtype=np.float32)   # gauss_legendre[nlinspace=1]


def setup_inputs(seed: int = 0):
    key = jax.random.key(seed)
    kx, kt, kw, kb = jax.random.split(key, 4)
    B, T, D = 4, 256, D_MODEL
    x = jax.random.normal(kx, (B, T, D), dtype=jnp.float32)
    # strictly increasing positive event times (no PAD=0 entries -> pad_num == 0)
    dt = jax.random.uniform(kt, (B, T), minval=0.05, maxval=1.0, dtype=jnp.float32)
    t = jnp.cumsum(dt, axis=1)
    # lin_outside parameters (xavier_uniform weight, nn.Linear default bias init)
    limit = float(np.sqrt(6.0 / (D + D)))
    W = jax.random.uniform(kw, (D, D), minval=-limit, maxval=limit, dtype=jnp.float32)
    b = jax.random.uniform(kb, (D,), minval=-1.0 / np.sqrt(D), maxval=1.0 / np.sqrt(D), dtype=jnp.float32)
    return {'x': x, 't': t, 'W': W, 'b': b}


def _forward(x, W, b, t):
    B, T, D = x.shape
    # ---- pre_integrals: trailing PAD(=0) times replaced by last valid time ----
    is_pad = jnp.concatenate([jnp.zeros((B, 1), bool), t[:, 1:] == 0.0], axis=1)
    pos = jnp.where(is_pad, 0, jnp.arange(T)[None, :])
    pos = jax.lax.cummax(pos, axis=1)
    Tfix = jnp.take_along_axis(t, pos, axis=1)
    # unique event times across the whole batch (torch.unique sorted)
    M = B * T
    s = jnp.sort(Tfix.reshape(-1))
    firsts = jnp.concatenate([jnp.ones((1,), bool), s[1:] != s[:-1]])
    L = jnp.sum(firsts)
    upos = jnp.cumsum(firsts) - 1
    tt = jnp.full((M,), jnp.inf, dtype=s.dtype).at[upos].set(s)
    # linear_interpolation_coeffs: for each batch element the observed knots are
    # exactly (Tfix[bb], x[bb]); NaN slots between observations are filled by
    # linear interpolation in time and both ends are extended with the nearest
    # observed value. jnp.interp reproduces this behavior exactly per channel.
    def per_batch(tb, xb):
        return jax.vmap(lambda col: jnp.interp(tt, tb, col), in_axes=1, out_axes=1)(xb)
    coeffs = jax.vmap(per_batch)(Tfix, x)  # [B, M, D]
    # ---- torchcde.LinearInterpolation(coeffs, tt).evaluate(linspace_t) ----
    tmax = jnp.max(t)
    a8 = 8.0 * tmax
    a2 = 2.0 * tmax
    f8 = jnp.floor(a8)
    f2 = jnp.floor(a2)
    N = (f8 + f2 + jnp.floor((a8 - f8) + (a2 - f2))).astype(jnp.int32) + 6
    N_MAX = int(T / ATOL) + 6
    delta = (tmax + 5 * ATOL) / (N - 1).astype(jnp.float32)
    lin_t = jax.lax.iota(jnp.float32, N_MAX) * delta
    seg = jnp.clip(jnp.searchsorted(tt, lin_t, side='right') - 1, 0, L - 2)
    t_prev = tt[seg]
    t_next = tt[seg + 1]
    frac = ((lin_t - t_prev) / (t_next - t_prev))[None, :, None]
    interp_f = coeffs[:, seg, :] + frac * (coeffs[:, seg + 1, :] - coeffs[:, seg, :])  # [B, N_MAX, D]
    # ---- gauss quadrature query times, nlinspace=1 -> K=1 (midpoints) ----
    t0 = jnp.broadcast_to(t[:, None, :], (B, T, T))   # t0[b,q,j] = t[b,j]
    t1 = jnp.broadcast_to(t[:, :, None], (B, T, T))   # t1[b,i,j] = t[b,i]
    rate = jnp.asarray(GAUSS_X)
    interp_t = t0[..., None] + (t1[..., None] - t0[..., None]) * (rate + 1.0) / 2.0  # [B,T,T,1]
    disc = (interp_t / ATOL).astype(jnp.int32)  # .long() truncation == floor (all >= 0)
    disc = disc.reshape(B, -1)
    bidx = jnp.broadcast_to(jnp.arange(B)[:, None], disc.shape)
    out = interp_f[bidx.reshape(-1), disc.reshape(-1), :]
    out = out.reshape(B, T, T, -1, D)  # K = 1
    # linear_type == 'after'
    out = out @ W.T + b
    # gauss weights * 0.5 (gauss_weight[1] == [2.0]); norm=True -> no (t1-t0) factor
    w = jnp.asarray(GAUSS_W)
    out = out * w.reshape(1, 1, 1, -1, 1) * 0.5
    return out


def reference(x, t, W, b):
    return _forward(x, W, b, t)

if __name__ == "__main__":
    import jax
    _d = setup_inputs()
    print(jax.jit(kernel)(*tuple(_d.values())))

</pallas_src>

<mosaic_0001>
#map = affine_map<(d0, d1) -> (0, 0)>
#map1 = affine_map<(d0, d1) -> (0)>
module attributes {stable_mosaic.version = 14 : i64} {
  func.func @_sc_gather(%arg0: i32, %arg1: i32, %arg2: memref<10272x128xf32, #tpu.memory_space<hbm>>, %arg3: memref<262144xi32, #tpu.memory_space<hbm>>, %arg4: memref<262144x128xf32, #tpu.memory_space<hbm>>, %arg5: memref<8192xi32, #tpu.memory_space<vmem>>, %arg6: memref<10272x128xf32, #tpu.memory_space<vmem_shared>>, %arg7: memref<128x128xf32, #tpu.memory_space<vmem>>, %arg8: memref<128x128xf32, #tpu.memory_space<vmem>>, %arg9: memref<!tpu.dma_semaphore, #tpu.memory_space<semaphore_mem>>, %arg10: memref<!tpu.dma_semaphore, #tpu.memory_space<semaphore_mem>>, %arg11: memref<!tpu.dma_semaphore, #tpu.memory_space<semaphore_mem>>, %arg12: memref<!tpu.dma_semaphore, #tpu.memory_space<semaphore_mem>>) attributes {dimension_semantics = [#tpu.dimension_semantics<core_parallel>, #tpu.dimension_semantics<subcore_parallel>], iteration_bounds = array<i64: 2, 16>, scalar_prefetch = 0 : i64, scratch_operands = 8 : i64, tpu.core_type = #tpu.core_type<sc_vector_subcore>, window_params = [{transform_indices = #map}, {transform_indices = #map1}, {transform_indices = #map}]} {
    %mul3A = arith.constant 2 : i32
    %mul3A_0 = arith.muli %arg1, %mul3A : i32
    %add3A = arith.addi %mul3A_0, %arg0 : i32
    %mul3A_1 = arith.constant 8192 : i32
    %mul3A_2 = arith.muli %add3A, %mul3A_1 : i32
    %mul3A_3 = arith.constant 640 : i32
    %mul3A_4 = arith.muli %arg1, %mul3A_3 : i32
    %mul3A_5 = arith.constant 640 : i32
    %mul3A_6 = arith.muli %arg1, %mul3A_5 : i32
    "tpu.region"() ({
      %run_scoped3A = tpu.sem_alloc : memref<!tpu.dma_semaphore, #tpu.memory_space<semaphore_mem>>
      %dma_start3A_32 = arith.constant 0 : i32
      %dma_start3A_33 = tpu.memref_slice %arg6[%mul3A_6, %dma_start3A_32] : memref<10272x128xf32, #tpu.memory_space<vmem_shared>> -> memref<640x128xf32, #tpu.memory_space<vmem_shared>>
      %dma_start3A_34 = arith.constant 0 : i32
      %dma_start3A_35 = tpu.memref_slice %arg2[%mul3A_4, %dma_start3A_34] : memref<10272x128xf32, #tpu.memory_space<hbm>> -> memref<640x128xf32, #tpu.memory_space<hbm>>
      tpu.enqueue_dma source(%dma_start3A_35 : memref<640x128xf32, #tpu.memory_space<hbm>>) target(%dma_start3A_33 : memref<640x128xf32, #tpu.memory_space<vmem_shared>>) target_semaphore(%run_scoped3A : memref<!tpu.dma_semaphore, #tpu.memory_space<semaphore_mem>>)
      %dma_wait3A_36 = arith.constant 0 : i32
      %dma_wait3A_37 = tpu.memref_slice %arg6[%mul3A_6, %dma_wait3A_36] : memref<10272x128xf32, #tpu.memory_space<vmem_shared>> -> memref<640x128xf32, #tpu.memory_space<vmem_shared>>
      %dma_wait3A_38 = arith.constant 0 : i32
      %dma_wait3A_39 = tpu.memref_slice %arg2[%mul3A_4, %dma_wait3A_38] : memref<10272x128xf32, #tpu.memory_space<hbm>> -> memref<640x128xf32, #tpu.memory_space<hbm>>
      tpu.wait_dma2 semaphore(%run_scoped3A : memref<!tpu.dma_semaphore, #tpu.memory_space<semaphore_mem>>) src(%dma_wait3A_39 : memref<640x128xf32, #tpu.memory_space<hbm>>) dst(%dma_wait3A_37 : memref<640x128xf32, #tpu.memory_space<vmem_shared>>)
      tpu.yield
    }) : () -> ()
    %eq3A = arith.constant 15 : i32
    %eq3A_7 = arith.cmpi eq, %arg1, %eq3A : i32
    %convert_element_type3A = arith.extui %eq3A_7 : i1 to i32
    %cond3A = arith.constant 0 : i32
    %cond3A_8 = arith.cmpi ne, %convert_element_type3A, %cond3A : i32
    scf.if %cond3A_8 {
      "tpu.region"() ({
        %run_scoped3A = tpu.sem_alloc : memref<!tpu.dma_semaphore, #tpu.memory_space<semaphore_mem>>
        %dma_start3A_32 = arith.constant 10240 : i32
        %dma_start3A_33 = arith.constant 0 : i32
        %dma_start3A_34 = tpu.memref_slice %arg6[%dma_start3A_32, %dma_start3A_33] : memref<10272x128xf32, #tpu.memory_space<vmem_shared>> -> memref<32x128xf32, #tpu.memory_space<vmem_shared>>
        %dma_start3A_35 = arith.constant 10240 : i32
        %dma_start3A_36 = arith.constant 0 : i32
        %dma_start3A_37 = tpu.memref_slice %arg2[%dma_start3A_35, %dma_start3A_36] : memref<10272x128xf32, #tpu.memory_space<hbm>> -> memref<32x128xf32, #tpu.memory_space<hbm>>
        tpu.enqueue_dma source(%dma_start3A_37 : memref<32x128xf32, #tpu.memory_space<hbm>>) target(%dma_start3A_34 : memref<32x128xf32, #tpu.memory_space<vmem_shared>>) target_semaphore(%run_scoped3A : memref<!tpu.dma_semaphore, #tpu.memory_space<semaphore_mem>>)
        %dma_wait3A_38 = arith.constant 10240 : i32
        %dma_wait3A_39 = arith.constant 0 : i32
        %dma_wait3A_40 = tpu.memref_slice %arg6[%dma_wait3A_38, %dma_wait3A_39] : memref<10272x128xf32, #tpu.memory_space<vmem_shared>> -> memref<32x128xf32, #tpu.memory_space<vmem_shared>>
        %dma_wait3A_41 = arith.constant 10240 : i32
        %dma_wait3A_42 = arith.constant 0 : i32
        %dma_wait3A_43 = tpu.memref_slice %arg2[%dma_wait3A_41, %dma_wait3A_42] : memref<10272x128xf32, #tpu.memory_space<hbm>> -> memref<32x128xf32, #tpu.memory_space<hbm>>
        tpu.wait_dma2 semaphore(%run_scoped3A : memref<!tpu.dma_semaphore, #tpu.memory_space<semaphore_mem>>) src(%dma_wait3A_43 : memref<32x128xf32, #tpu.memory_space<hbm>>) dst(%dma_wait3A_40 : memref<32x128xf32, #tpu.memory_space<vmem_shared>>)
        tpu.yield
      }) : () -> ()
    } else {
    }
    "tpu.region"() ({
      %run_scoped3A = tpu.sem_alloc : memref<!tpu.dma_semaphore, #tpu.memory_space<semaphore_mem>>
      %dma_start3A_32 = tpu.memref_slice %arg3[%mul3A_2] : memref<262144xi32, #tpu.memory_space<hbm>> -> memref<8192xi32, #tpu.memory_space<hbm>>
      %dma_start3A_33 = tpu.memref_slice %arg3[%mul3A_2] : memref<262144xi32, #tpu.memory_space<hbm>> -> memref<8192xi32, #tpu.memory_space<hbm>>
      tpu.enqueue_dma source(%dma_start3A_33 : memref<8192xi32, #tpu.memory_space<hbm>>) target(%arg5 : memref<8192xi32, #tpu.memory_space<vmem>>) target_semaphore(%run_scoped3A : memref<!tpu.dma_semaphore, #tpu.memory_space<semaphore_mem>>)
      %dma_wait3A_34 = tpu.memref_slice %arg3[%mul3A_2] : memref<262144xi32, #tpu.memory_space<hbm>> -> memref<8192xi32, #tpu.memory_space<hbm>>
      %dma_wait3A_35 = tpu.memref_slice %arg3[%mul3A_2] : memref<262144xi32, #tpu.memory_space<hbm>> -> memref<8192xi32, #tpu.memory_space<hbm>>
      tpu.wait_dma2 semaphore(%run_scoped3A : memref<!tpu.dma_semaphore, #tpu.memory_space<semaphore_mem>>) src(%dma_wait3A_35 : memref<8192xi32, #tpu.memory_space<hbm>>) dst(%arg5 : memref<8192xi32, #tpu.memory_space<vmem>>)
      tpu.yield
    }) : () -> ()
    %barrier3A = arith.constant 0 : index
    tpu.barrier barrier_id(%barrier3A)
    %dma_start3A = arith.constant 0 : i32
    %dma_start3A_9 = arith.constant 0 : i32
    %dma_start3A_10 = tpu.memref_slice %arg7[%dma_start3A, %dma_start3A_9] : memref<128x128xf32, #tpu.memory_space<vmem>> -> memref<128x128xf32, #tpu.memory_space<vmem>>
    %dma_start3A_11 = arith.constant 0 : i32
    %dma_start3A_12 = tpu.memref_slice %arg5[%dma_start3A_11] : memref<8192xi32, #tpu.memory_space<vmem>> -> memref<128xi32, #tpu.memory_space<vmem>>
    %dma_start3A_13 = arith.constant 0 : i32
    %dma_start3A_14 = arith.constant 0 : i32
    %dma_start3A_15 = tpu.memref_slice %arg6[%dma_start3A_13, %dma_start3A_14] : memref<10272x128xf32, #tpu.memory_space<vmem_shared>> -> memref<10272x128xf32, #tpu.memory_space<vmem_shared>>
    tpu.enqueue_indirect_dma source(%dma_start3A_15 : memref<10272x128xf32, #tpu.memory_space<vmem_shared>>) target(%dma_start3A_10 : memref<128x128xf32, #tpu.memory_space<vmem>>) offsets(%dma_start3A_12 : memref<128xi32, #tpu.memory_space<vmem>>) semaphore(%arg9 : memref<!tpu.dma_semaphore, #tpu.memory_space<semaphore_mem>>)
    %scan3A = arith.constant 0 : i32
    %scan3A_16 = arith.constant 0 : i32
    %scan3A_17 = arith.constant 32 : i32
    %scan3A_18 = arith.addi %scan3A_16, %scan3A_17 : i32
    %scan3A_19 = arith.constant 1 : i32
    scf.for %scan3A_32 = %scan3A_16 to %scan3A_18 step %scan3A_19  : i32 {
      %mul3A_33 = arith.constant 2 : i32
      %mul3A_34 = arith.muli %scan3A_32, %mul3A_33 : i32
      %add3A_35 = arith.constant 0 : i32
      %add3A_36 = arith.addi %mul3A_34, %add3A_35 : i32
      %dma_wait3A_37 = arith.constant 0 : i32
      %dma_wait3A_38 = arith.constant 0 : i32
      %dma_wait3A_39 = tpu.memref_slice %arg2[%dma_wait3A_37, %dma_wait3A_38] : memref<10272x128xf32, #tpu.memory_space<hbm>> -> memref<128x128xf32, #tpu.memory_space<hbm>>
      %dma_wait3A_40 = arith.constant 0 : i32
      %dma_wait3A_41 = arith.constant 0 : i32
      %dma_wait3A_42 = tpu.memref_slice %arg2[%dma_wait3A_40, %dma_wait3A_41] : memref<10272x128xf32, #tpu.memory_space<hbm>> -> memref<128x128xf32, #tpu.memory_space<hbm>>
      tpu.wait_dma2 semaphore(%arg9 : memref<!tpu.dma_semaphore, #tpu.memory_space<semaphore_mem>>) src(%dma_wait3A_42 : memref<128x128xf32, #tpu.memory_space<hbm>>) dst(%arg7 : memref<128x128xf32, #tpu.memory_space<vmem>>)
      %add3A_43 = arith.constant 2 : i32
      %add3A_44 = arith.addi %add3A_36, %add3A_43 : i32
      %sub3A = arith.constant 1 : i32
      %sub3A_45 = arith.subi %add3A_44, %sub3A : i32
      %lt3A = arith.constant 64 : i32
      %lt3A_46 = arith.cmpi slt, %sub3A_45, %lt3A : i32
      %convert_element_type3A_47 = arith.extui %lt3A_46 : i1 to i32
      %cond3A_48 = arith.constant 0 : i32
      %cond3A_49 = arith.cmpi ne, %convert_element_type3A_47, %cond3A_48 : i32
      scf.if %cond3A_49 {
        %ge3A = arith.constant 1 : i32
        %ge3A_83 = arith.cmpi sge, %add3A_36, %ge3A : i32
        %convert_element_type3A_84 = arith.extui %ge3A_83 : i1 to i32
        %cond3A_85 = arith.constant 0 : i32
        %cond3A_86 = arith.cmpi ne, %convert_element_type3A_84, %cond3A_85 : i32
        scf.if %cond3A_86 {
          %dma_wait3A_102 = arith.constant 0 : i32
          %dma_wait3A_103 = arith.constant 0 : i32
          %dma_wait3A_104 = tpu.memref_slice %arg2[%dma_wait3A_102, %dma_wait3A_103] : memref<10272x128xf32, #tpu.memory_space<hbm>> -> memref<128x128xf32, #tpu.memory_space<hbm>>
          %dma_wait3A_105 = arith.constant 0 : i32
          %dma_wait3A_106 = arith.constant 0 : i32
          %dma_wait3A_107 = tpu.memref_slice %arg2[%dma_wait3A_105, %dma_wait3A_106] : memref<10272x128xf32, #tpu.memory_space<hbm>> -> memref<128x128xf32, #tpu.memory_space<hbm>>
          tpu.wait_dma2 semaphore(%arg12 : memref<!tpu.dma_semaphore, #tpu.memory_space<semaphore_mem>>) src(%dma_wait3A_107 : memref<128x128xf32, #tpu.memory_space<hbm>>) dst(%arg8 : memref<128x128xf32, #tpu.memory_space<vmem>>)
        } else {
        }
        %add3A_87 = arith.constant 2 : i32
        %add3A_88 = arith.addi %add3A_36, %add3A_87 : i32
        %sub3A_89 = arith.constant 1 : i32
        %sub3A_90 = arith.subi %add3A_88, %sub3A_89 : i32
        %mul3A_91 = arith.constant 128 : i32
        %mul3A_92 = arith.muli %sub3A_90, %mul3A_91 : i32
        %add3A_93 = arith.constant 0 : i32
        %add3A_94 = arith.addi %mul3A_92, %add3A_93 : i32
        %dma_start3A_95 = arith.constant 0 : i32
        %dma_start3A_96 = arith.constant 0 : i32
        %dma_start3A_97 = tpu.memref_slice %arg8[%dma_start3A_95, %dma_start3A_96] : memref<128x128xf32, #tpu.memory_space<vmem>> -> memref<128x128xf32, #tpu.memory_space<vmem>>
        %dma_start3A_98 = tpu.memref_slice %arg5[%add3A_94] : memref<8192xi32, #tpu.memory_space<vmem>> -> memref<128xi32, #tpu.memory_space<vmem>>
        %dma_start3A_99 = arith.constant 0 : i32
        %dma_start3A_100 = arith.constant 0 : i32
        %dma_start3A_101 = tpu.memref_slice %arg6[%dma_start3A_99, %dma_start3A_100] : memref<10272x128xf32, #tpu.memory_space<vmem_shared>> -> memref<10272x128xf32, #tpu.memory_space<vmem_shared>>
        tpu.enqueue_indirect_dma source(%dma_start3A_101 : memref<10272x128xf32, #tpu.memory_space<vmem_shared>>) target(%dma_start3A_97 : memref<128x128xf32, #tpu.memory_space<vmem>>) offsets(%dma_start3A_98 : memref<128xi32, #tpu.memory_space<vmem>>) semaphore(%arg10 : memref<!tpu.dma_semaphore, #tpu.memory_space<semaphore_mem>>)
      } else {
      }
      %mul3A_50 = arith.constant 128 : i32
      %mul3A_51 = arith.muli %add3A_36, %mul3A_50 : i32
      %add3A_52 = arith.addi %mul3A_2, %mul3A_51 : i32
      %dma_start3A_53 = arith.constant 0 : i32
      %dma_start3A_54 = tpu.memref_slice %arg4[%add3A_52, %dma_start3A_53] : memref<262144x128xf32, #tpu.memory_space<hbm>> -> memref<128x128xf32, #tpu.memory_space<hbm>>
      %dma_start3A_55 = arith.constant 0 : i32
      %dma_start3A_56 = tpu.memref_slice %arg4[%add3A_52, %dma_start3A_55] : memref<262144x128xf32, #tpu.memory_space<hbm>> -> memref<128x128xf32, #tpu.memory_space<hbm>>
      tpu.enqueue_dma source(%arg7 : memref<128x128xf32, #tpu.memory_space<vmem>>) target(%dma_start3A_56 : memref<128x128xf32, #tpu.memory_space<hbm>>) target_semaphore(%arg11 : memref<!tpu.dma_semaphore, #tpu.memory_space<semaphore_mem>>)
      %mul3A_57 = arith.constant 2 : i32
      %mul3A_58 = arith.muli %scan3A_32, %mul3A_57 : i32
      %add3A_59 = arith.constant 1 : i32
      %add3A_60 = arith.addi %mul3A_58, %add3A_59 : i32
      %dma_wait3A_61 = arith.constant 0 : i32
      %dma_wait3A_62 = arith.constant 0 : i32
      %dma_wait3A_63 = tpu.memref_slice %arg2[%dma_wait3A_61, %dma_wait3A_62] : memref<10272x128xf32, #tpu.memory_space<hbm>> -> memref<128x128xf32, #tpu.memory_space<hbm>>
      %dma_wait3A_64 = arith.constant 0 : i32
      %dma_wait3A_65 = arith.constant 0 : i32
      %dma_wait3A_66 = tpu.memref_slice %arg2[%dma_wait3A_64, %dma_wait3A_65] : memref<10272x128xf32, #tpu.memory_space<hbm>> -> memref<128x128xf32, #tpu.memory_space<hbm>>
      tpu.wait_dma2 semaphore(%arg10 : memref<!tpu.dma_semaphore, #tpu.memory_space<semaphore_mem>>) src(%dma_wait3A_66 : memref<128x128xf32, #tpu.memory_space<hbm>>) dst(%arg8 : memref<128x128xf32, #tpu.memory_space<vmem>>)
      %add3A_67 = arith.constant 2 : i32
      %add3A_68 = arith.addi %add3A_60, %add3A_67 : i32
      %sub3A_69 = arith.constant 1 : i32
      %sub3A_70 = arith.subi %add3A_68, %sub3A_69 : i32
      %lt3A_71 = arith.constant 64 : i32
      %lt3A_72 = arith.cmpi slt, %sub3A_70, %lt3A_71 : i32
      %convert_element_type3A_73 = arith.extui %lt3A_72 : i1 to i32
      %cond3A_74 = arith.constant 0 : i32
      %cond3A_75 = arith.cmpi ne, %convert_element_type3A_73, %cond3A_74 : i32
      scf.if %cond3A_75 {
        %ge3A = arith.constant 1 : i32
        %ge3A_83 = arith.cmpi sge, %add3A_60, %ge3A : i32
        %convert_element_type3A_84 = arith.extui %ge3A_83 : i1 to i32
        %cond3A_85 = arith.constant 0 : i32
        %cond3A_86 = arith.cmpi ne, %convert_element_type3A_84, %cond3A_85 : i32
        scf.if %cond3A_86 {
          %dma_wait3A_102 = arith.constant 0 : i32
          %dma_wait3A_103 = arith.constant 0 : i32
          %dma_wait3A_104 = tpu.memref_slice %arg2[%dma_wait3A_102, %dma_wait3A_103] : memref<10272x128xf32, #tpu.memory_space<hbm>> -> memref<128x128xf32, #tpu.memory_space<hbm>>
          %dma_wait3A_105 = arith.constant 0 : i32
          %dma_wait3A_106 = arith.constant 0 : i32
          %dma_wait3A_107 = tpu.memref_slice %arg2[%dma_wait3A_105, %dma_wait3A_106] : memref<10272x128xf32, #tpu.memory_space<hbm>> -> memref<128x128xf32, #tpu.memory_space<hbm>>
          tpu.wait_dma2 semaphore(%arg11 : memref<!tpu.dma_semaphore, #tpu.memory_space<semaphore_mem>>) src(%dma_wait3A_107 : memref<128x128xf32, #tpu.memory_space<hbm>>) dst(%arg7 : memref<128x128xf32, #tpu.memory_space<vmem>>)
        } else {
        }
        %add3A_87 = arith.constant 2 : i32
        %add3A_88 = arith.addi %add3A_60, %add3A_87 : i32
        %sub3A_89 = arith.constant 1 : i32
        %sub3A_90 = arith.subi %add3A_88, %sub3A_89 : i32
        %mul3A_91 = arith.constant 128 : i32
        %mul3A_92 = arith.muli %sub3A_90, %mul3A_91 : i32
        %add3A_93 = arith.constant 0 : i32
        %add3A_94 = arith.addi %mul3A_92, %add3A_93 : i32
        %dma_start3A_95 = arith.constant 0 : i32
        %dma_start3A_96 = arith.constant 0 : i32
        %dma_start3A_97 = tpu.memref_slice %arg7[%dma_start3A_95, %dma_start3A_96] : memref<128x128xf32, #tpu.memory_space<vmem>> -> memref<128x128xf32, #tpu.memory_space<vmem>>
        %dma_start3A_98 = tpu.memref_slice %arg5[%add3A_94] : memref<8192xi32, #tpu.memory_space<vmem>> -> memref<128xi32, #tpu.memory_space<vmem>>
        %dma_start3A_99 = arith.constant 0 : i32
        %dma_start3A_100 = arith.constant 0 : i32
        %dma_start3A_101 = tpu.memref_slice %arg6[%dma_start3A_99, %dma_start3A_100] : memref<10272x128xf32, #tpu.memory_space<vmem_shared>> -> memref<10272x128xf32, #tpu.memory_space<vmem_shared>>
        tpu.enqueue_indirect_dma source(%dma_start3A_101 : memref<10272x128xf32, #tpu.memory_space<vmem_shared>>) target(%dma_start3A_97 : memref<128x128xf32, #tpu.memory_space<vmem>>) offsets(%dma_start3A_98 : memref<128xi32, #tpu.memory_space<vmem>>) semaphore(%arg9 : memref<!tpu.dma_semaphore, #tpu.memory_space<semaphore_mem>>)
      } else {
      }
      %mul3A_76 = arith.constant 128 : i32
      %mul3A_77 = arith.muli %add3A_60, %mul3A_76 : i32
      %add3A_78 = arith.addi %mul3A_2, %mul3A_77 : i32
      %dma_start3A_79 = arith.constant 0 : i32
      %dma_start3A_80 = tpu.memref_slice %arg4[%add3A_78, %dma_start3A_79] : memref<262144x128xf32, #tpu.memory_space<hbm>> -> memref<128x128xf32, #tpu.memory_space<hbm>>
      %dma_start3A_81 = arith.constant 0 : i32
      %dma_start3A_82 = tpu.memref_slice %arg4[%add3A_78, %dma_start3A_81] : memref<262144x128xf32, #tpu.memory_space<hbm>> -> memref<128x128xf32, #tpu.memory_space<hbm>>
      tpu.enqueue_dma source(%arg8 : memref<128x128xf32, #tpu.memory_space<vmem>>) target(%dma_start3A_82 : memref<128x128xf32, #tpu.memory_space<hbm>>) target_semaphore(%arg12 : memref<!tpu.dma_semaphore, #tpu.memory_space<semaphore_mem>>)
    }
    %scan3A_20 = arith.constant 32 : i32
    %dma_wait3A = arith.constant 0 : i32
    %dma_wait3A_21 = arith.constant 0 : i32
    %dma_wait3A_22 = tpu.memref_slice %arg2[%dma_wait3A, %dma_wait3A_21] : memref<10272x128xf32, #tpu.memory_space<hbm>> -> memref<128x128xf32, #tpu.memory_space<hbm>>
    %dma_wait3A_23 = arith.constant 0 : i32
    %dma_wait3A_24 = arith.constant 0 : i32
    %dma_wait3A_25 = tpu.memref_slice %arg2[%dma_wait3A_23, %dma_wait3A_24] : memref<10272x128xf32, #tpu.memory_space<hbm>> -> memref<128x128xf32, #tpu.memory_space<hbm>>
    tpu.wait_dma2 semaphore(%arg11 : memref<!tpu.dma_semaphore, #tpu.memory_space<semaphore_mem>>) src(%dma_wait3A_25 : memref<128x128xf32, #tpu.memory_space<hbm>>) dst(%arg7 : memref<128x128xf32, #tpu.memory_space<vmem>>)
    %dma_wait3A_26 = arith.constant 0 : i32
    %dma_wait3A_27 = arith.constant 0 : i32
    %dma_wait3A_28 = tpu.memref_slice %arg2[%dma_wait3A_26, %dma_wait3A_27] : memref<10272x128xf32, #tpu.memory_space<hbm>> -> memref<128x128xf32, #tpu.memory_space<hbm>>
    %dma_wait3A_29 = arith.constant 0 : i32
    %dma_wait3A_30 = arith.constant 0 : i32
    %dma_wait3A_31 = tpu.memref_slice %arg2[%dma_wait3A_29, %dma_wait3A_30] : memref<10272x128xf32, #tpu.memory_space<hbm>> -> memref<128x128xf32, #tpu.memory_space<hbm>>
    tpu.wait_dma2 semaphore(%arg12 : memref<!tpu.dma_semaphore, #tpu.memory_space<semaphore_mem>>) src(%dma_wait3A_31 : memref<128x128xf32, #tpu.memory_space<hbm>>) dst(%arg8 : memref<128x128xf32, #tpu.memory_space<vmem>>)
    return
  }
}

module attributes {stable_mosaic.version = 14 : i64} {
  func.func @_tc_body(%arg0: i32, %arg1: memref<1x1x256xf32, #tpu.memory_space<vmem>>, %arg2: memref<1x256x1xf32, #tpu.memory_space<vmem>>, %arg3: memref<1x256x128xf32, #tpu.memory_space<vmem>>, %arg4: memref<128x128xf32, #tpu.memory_space<vmem>>, %arg5: memref<1x128xf32, #tpu.memory_space<vmem>>, %arg6: memref<1x1x8xf32, #tpu.memory_space<vmem>>, %arg7: memref<1x2568x128xf32, #tpu.memory_space<vmem>>, %arg8: memref<1x256x256xi32, #tpu.memory_space<vmem>>) attributes {dimension_semantics = [#tpu.dimension_semantics<arbitrary>], iteration_bounds = array<i64: 4>, scalar_prefetch = 0 : i64, scratch_operands = 0 : i64, tpu.core_type = #tpu.core_type<tc>, window_params = [{transform_indices = @transform_0, window_bounds = array<i64: 1, 1, 256>}, {transform_indices = @transform_1, window_bounds = array<i64: 1, 256, 1>}, {transform_indices = @transform_2, window_bounds = array<i64: 1, 256, 128>}, {pipeline_mode = #tpu.pipeline_mode<synchronous>, transform_indices = @transform_3, window_bounds = array<i64: 128, 128>}, {pipeline_mode = #tpu.pipeline_mode<synchronous>, transform_indices = @transform_4, window_bounds = array<i64: 1, 128>}, {transform_indices = @transform_5, window_bounds = array<i64: 1, 1, 8>}, {transform_indices = @transform_6, window_bounds = array<i64: 1, 2568, 128>}, {transform_indices = @transform_7, window_bounds = array<i64: 1, 256, 256>}]} {
    %get3A = arith.constant 0 : index
    %get3A_0 = arith.constant 0 : index
    %get3A_1 = arith.constant 0 : index
    %get3A_2 = vector.load %arg6[%get3A, %get3A_0, %get3A_1] : memref<1x1x8xf32, #tpu.memory_space<vmem>>, vector<1x1x1xf32>
    %get3A_3 = vector.extract %get3A_2[0, 0, 0] : f32 from vector<1x1x1xf32>
    %get3A_4 = arith.constant 0 : index
    %get3A_5 = arith.constant 0 : index
    %get3A_6 = arith.constant 1 : index
    %get3A_7 = vector.load %arg6[%get3A_4, %get3A_5, %get3A_6] : memref<1x1x8xf32, #tpu.memory_space<vmem>>, vector<1x1x1xf32>
    %get3A_8 = vector.extract %get3A_7[0, 0, 0] : f32 from vector<1x1x1xf32>
    %get3A_9 = arith.constant 0 : index
    %get3A_10 = arith.constant 0 : index
    %get3A_11 = arith.constant 2 : index
    %get3A_12 = vector.load %arg6[%get3A_9, %get3A_10, %get3A_11] : memref<1x1x8xf32, #tpu.memory_space<vmem>>, vector<1x1x1xf32>
    %get3A_13 = vector.extract %get3A_12[0, 0, 0] : f32 from vector<1x1x1xf32>
    %get3A_14 = arith.constant 0 : index
    %get3A_15 = arith.constant 0 : index
    %get3A_16 = arith.constant 0 : index
    %get3A_17 = vector.load %arg1[%get3A_14, %get3A_15, %get3A_16] : memref<1x1x256xf32, #tpu.memory_space<vmem>>, vector<1x1x256xf32>
    %get3A_18 = vector.shape_cast %get3A_17 : vector<1x1x256xf32> to vector<1x256xf32>
    %get3A_19 = arith.constant 0 : index
    %get3A_20 = arith.constant 0 : index
    %get3A_21 = arith.constant 0 : index
    %get3A_22 = vector.load %arg3[%get3A_19, %get3A_20, %get3A_21] : memref<1x256x128xf32, #tpu.memory_space<vmem>>, vector<1x256x128xf32>
    %get3A_23 = vector.shape_cast %get3A_22 : vector<1x256x128xf32> to vector<256x128xf32>
    %get3A_24 = arith.constant 0 : index
    %get3A_25 = arith.constant 0 : index
    %get3A_26 = vector.load %arg4[%get3A_24, %get3A_25] : memref<128x128xf32, #tpu.memory_space<vmem>>, vector<128x128xf32>
    %dot_general3A = arith.constant dense<0.000000e+00> : vector<256x128xf32>
    %dot_general3A_27 = tpu.matmul %get3A_23, %get3A_26, %dot_general3A {dimension_numbers = #tpu.dot_dimension_numbers<[1], [1], [0], [0], [0, 0, 1, 0], [], []>, transpose_lhs_hint = false} : vector<256x128xf32>, vector<128x128xf32>, vector<256x128xf32> -> vector<256x128xf32>
    %slice3A = vector.extract_strided_slice %get3A_18 {offsets = [0, 255], sizes = [1, 1], strides = [1, 1]} : vector<1x256xf32> to vector<1x1xf32>
    %squeeze3A = vector.extract %slice3A[0, 0] : f32 from vector<1x1xf32>
    %div3A = arith.constant 1.000000e-01 : f32
    %div3A_28 = arith.divf %squeeze3A, %div3A : f32
    %convert_element_type3A = arith.fptosi %div3A_28 : f32 to i32
    %le3A = arith.constant 0 : i32
    %le3A_29 = arith.cmpi sle, %le3A, %convert_element_type3A : i32
    %convert_element_type3A_30 = arith.extui %le3A_29 : i1 to i32
    %cond3A = arith.constant 0 : i32
    %cond3A_31 = arith.cmpi ne, %convert_element_type3A_30, %cond3A : i32
    scf.if %cond3A_31 {
      %iota3A = tpu.iota {dimensions = array<i32: 0>} : vector<856x1xi32>
      %add3A_65 = arith.constant 0 : i32
      %add3A_66 = vector.broadcast %add3A_65 : i32 to vector<856x1xi32>
      %add3A_67 = arith.addi %iota3A, %add3A_66 : vector<856x1xi32>
      %convert_element_type3A_68 = arith.sitofp %add3A_67 : vector<856x1xi32> to vector<856x1xf32>
      %mul3A_69 = vector.broadcast %get3A_3 : f32 to vector<856x1xf32>
      %mul3A_70 = arith.mulf %convert_element_type3A_68, %mul3A_69 : vector<856x1xf32>
      %le3A_71 = vector.broadcast %get3A_18 : vector<1x256xf32> to vector<856x256xf32>
      %le3A_72 = vector.broadcast %mul3A_70 : vector<856x1xf32> to vector<856x256xf32>
      %le3A_73 = arith.cmpf ole, %le3A_71, %le3A_72 : vector<856x256xf32>
      %convert_element_type3A_74 = arith.extui %le3A_73 : vector<856x256xi1> to vector<856x256xi32>
      %reduce_sum3A = arith.constant dense<0> : vector<856xi32>
      %reduce_sum3A_75 = vector.multi_reduction <add>, %convert_element_type3A_74, %reduce_sum3A [1] : vector<856x256xi32> to vector<856xi32>
      %broadcast_in_dim3A = vector.shape_cast %reduce_sum3A_75 : vector<856xi32> to vector<856x1xi32>
      %jit3A = arith.constant 1 : i32
      %jit3A_76 = arith.constant 255 : i32
      %max3A = vector.broadcast %jit3A : i32 to vector<856x1xi32>
      %max3A_77 = arith.maxsi %max3A, %broadcast_in_dim3A : vector<856x1xi32>
      %min3A = vector.broadcast %jit3A_76 : i32 to vector<856x1xi32>
      %min3A_78 = arith.minsi %min3A, %max3A_77 : vector<856x1xi32>
      %iota3A_79 = tpu.iota {dimensions = array<i32: 1>} : vector<856x256xi32>
      %sub3A_80 = arith.constant 1 : i32
      %sub3A_81 = vector.broadcast %sub3A_80 : i32 to vector<856x1xi32>
      %sub3A_82 = arith.subi %min3A_78, %sub3A_81 : vector<856x1xi32>
      %eq3A = vector.broadcast %sub3A_82 : vector<856x1xi32> to vector<856x256xi32>
      %eq3A_83 = arith.cmpi eq, %iota3A_79, %eq3A : vector<856x256xi32>
      %convert_element_type3A_84 = arith.extui %eq3A_83 : vector<856x256xi1> to vector<856x256xi32>
      %convert_element_type3A_85 = arith.sitofp %convert_element_type3A_84 : vector<856x256xi32> to vector<856x256xf32>
      %eq3A_86 = vector.broadcast %min3A_78 : vector<856x1xi32> to vector<856x256xi32>
      %eq3A_87 = arith.cmpi eq, %iota3A_79, %eq3A_86 : vector<856x256xi32>
      %convert_element_type3A_88 = arith.extui %eq3A_87 : vector<856x256xi1> to vector<856x256xi32>
      %convert_element_type3A_89 = arith.sitofp %convert_element_type3A_88 : vector<856x256xi32> to vector<856x256xf32>
      %mul3A_90 = vector.broadcast %get3A_18 : vector<1x256xf32> to vector<856x256xf32>
      %mul3A_91 = arith.mulf %convert_element_type3A_85, %mul3A_90 : vector<856x256xf32>
      %reduce_sum3A_92 = arith.constant dense<0.000000e+00> : vector<856xf32>
      %reduce_sum3A_93 = vector.multi_reduction <add>, %mul3A_91, %reduce_sum3A_92 [1] : vector<856x256xf32> to vector<856xf32>
      %broadcast_in_dim3A_94 = vector.shape_cast %reduce_sum3A_93 : vector<856xf32> to vector<856x1xf32>
      %mul3A_95 = vector.broadcast %get3A_18 : vector<1x256xf32> to vector<856x256xf32>
      %mul3A_96 = arith.mulf %convert_element_type3A_89, %mul3A_95 : vector<856x256xf32>
      %reduce_sum3A_97 = arith.constant dense<0.000000e+00> : vector<856xf32>
      %reduce_sum3A_98 = vector.multi_reduction <add>, %mul3A_96, %reduce_sum3A_97 [1] : vector<856x256xf32> to vector<856xf32>
      %broadcast_in_dim3A_99 = vector.shape_cast %reduce_sum3A_98 : vector<856xf32> to vector<856x1xf32>
      %sub3A_100 = arith.subf %mul3A_70, %broadcast_in_dim3A_94 : vector<856x1xf32>
      %sub3A_101 = arith.subf %broadcast_in_dim3A_99, %broadcast_in_dim3A_94 : vector<856x1xf32>
      %div3A_102 = arith.divf %sub3A_100, %sub3A_101 : vector<856x1xf32>
      %min3A_103 = arith.constant 1.000000e+00 : f32
      %min3A_104 = vector.broadcast %min3A_103 : f32 to vector<856x1xf32>
      %min3A_105 = arith.minimumf %div3A_102, %min3A_104 : vector<856x1xf32>
      %gt3A = arith.constant 0.000000e+00 : f32
      %gt3A_106 = arith.cmpf ogt, %get3A_13, %gt3A : f32
      %lt3A = vector.broadcast %get3A_8 : f32 to vector<856x1xf32>
      %lt3A_107 = arith.cmpf olt, %mul3A_70, %lt3A : vector<856x1xf32>
      %and3A = vector.broadcast %gt3A_106 : i1 to vector<856x1xi1>
      %and3A_108 = arith.andi %and3A, %lt3A_107 : vector<856x1xi1>
      %max3A_109 = arith.constant 0.000000e+00 : f32
      %max3A_110 = vector.broadcast %max3A_109 : f32 to vector<856x1xf32>
      %max3A_111 = arith.maximumf %min3A_105, %max3A_110 : vector<856x1xf32>
      %select_n3A = arith.select %and3A_108, %min3A_105, %max3A_111 : vector<856x1xi1>, vector<856x1xf32>
      %sub3A_112 = arith.subf %convert_element_type3A_89, %convert_element_type3A_85 : vector<856x256xf32>
      %mul3A_113 = vector.broadcast %select_n3A : vector<856x1xf32> to vector<856x256xf32>
      %mul3A_114 = arith.mulf %mul3A_113, %sub3A_112 : vector<856x256xf32>
      %add3A_115 = arith.addf %convert_element_type3A_85, %mul3A_114 : vector<856x256xf32>
      %dot_general3A_116 = arith.constant dense<0.000000e+00> : vector<856x128xf32>
      %dot_general3A_117 = tpu.matmul %add3A_115, %dot_general3A_27, %dot_general3A_116 {dimension_numbers = #tpu.dot_dimension_numbers<[1], [0], [0], [1], [0, 0, 1, 1], [], []>, transpose_lhs_hint = false} : vector<856x256xf32>, vector<256x128xf32>, vector<856x128xf32> -> vector<856x128xf32>
      %get3A_118 = arith.constant 0 : index
      %get3A_119 = arith.constant 0 : index
      %get3A_120 = vector.load %arg5[%get3A_118, %get3A_119] : memref<1x128xf32, #tpu.memory_space<vmem>>, vector<1x128xf32>
      %add3A_121 = vector.broadcast %get3A_120 : vector<1x128xf32> to vector<856x128xf32>
      %add3A_122 = arith.addf %dot_general3A_117, %add3A_121 : vector<856x128xf32>
      %swap3A_123 = arith.constant 0 : index
      %swap3A_124 = arith.constant 0 : index
      %swap3A_125 = arith.constant 0 : index
      %swap3A_126 = vector.load %arg7[%swap3A_123, %swap3A_124, %swap3A_125] : memref<1x2568x128xf32, #tpu.memory_space<vmem>>, vector<1x856x128xf32>
      %swap3A_127 = vector.shape_cast %swap3A_126 : vector<1x856x128xf32> to vector<856x128xf32>
      %swap3A_128 = vector.shape_cast %add3A_122 : vector<856x128xf32> to vector<1x856x128xf32>
      tpu.vector_store %arg7[%swap3A_123, %swap3A_124, %swap3A_125], %swap3A_128 {strides = array<i32>} : memref<1x2568x128xf32, #tpu.memory_space<vmem>>, vector<1x856x128xf32>,
    } else {
    }
    %le3A_32 = arith.constant 856 : i32
    %le3A_33 = arith.cmpi sle, %le3A_32, %convert_element_type3A : i32
    %convert_element_type3A_34 = arith.extui %le3A_33 : i1 to i32
    %cond3A_35 = arith.constant 0 : i32
    %cond3A_36 = arith.cmpi ne, %convert_element_type3A_34, %cond3A_35 : i32
    scf.if %cond3A_36 {
      %iota3A = tpu.iota {dimensions = array<i32: 0>} : vector<856x1xi32>
      %add3A_65 = arith.constant 856 : i32
      %add3A_66 = vector.broadcast %add3A_65 : i32 to vector<856x1xi32>
      %add3A_67 = arith.addi %iota3A, %add3A_66 : vector<856x1xi32>
      %convert_element_type3A_68 = arith.sitofp %add3A_67 : vector<856x1xi32> to vector<856x1xf32>
      %mul3A_69 = vector.broadcast %get3A_3 : f32 to vector<856x1xf32>
      %mul3A_70 = arith.mulf %convert_element_type3A_68, %mul3A_69 : vector<856x1xf32>
      %le3A_71 = vector.broadcast %get3A_18 : vector<1x256xf32> to vector<856x256xf32>
      %le3A_72 = vector.broadcast %mul3A_70 : vector<856x1xf32> to vector<856x256xf32>
      %le3A_73 = arith.cmpf ole, %le3A_71, %le3A_72 : vector<856x256xf32>
      %convert_element_type3A_74 = arith.extui %le3A_73 : vector<856x256xi1> to vector<856x256xi32>
      %reduce_sum3A = arith.constant dense<0> : vector<856xi32>
      %reduce_sum3A_75 = vector.multi_reduction <add>, %convert_element_type3A_74, %reduce_sum3A [1] : vector<856x256xi32> to vector<856xi32>
      %broadcast_in_dim3A = vector.shape_cast %reduce_sum3A_75 : vector<856xi32> to vector<856x1xi32>
      %jit3A = arith.constant 1 : i32
      %jit3A_76 = arith.constant 255 : i32
      %max3A = vector.broadcast %jit3A : i32 to vector<856x1xi32>
      %max3A_77 = arith.maxsi %max3A, %broadcast_in_dim3A : vector<856x1xi32>
      %min3A = vector.broadcast %jit3A_76 : i32 to vector<856x1xi32>
      %min3A_78 = arith.minsi %min3A, %max3A_77 : vector<856x1xi32>
      %iota3A_79 = tpu.iota {dimensions = array<i32: 1>} : vector<856x256xi32>
      %sub3A_80 = arith.constant 1 : i32
      %sub3A_81 = vector.broadcast %sub3A_80 : i32 to vector<856x1xi32>
      %sub3A_82 = arith.subi %min3A_78, %sub3A_81 : vector<856x1xi32>
      %eq3A = vector.broadcast %sub3A_82 : vector<856x1xi32> to vector<856x256xi32>
      %eq3A_83 = arith.cmpi eq, %iota3A_79, %eq3A : vector<856x256xi32>
      %convert_element_type3A_84 = arith.extui %eq3A_83 : vector<856x256xi1> to vector<856x256xi32>
      %convert_element_type3A_85 = arith.sitofp %convert_element_type3A_84 : vector<856x256xi32> to vector<856x256xf32>
      %eq3A_86 = vector.broadcast %min3A_78 : vector<856x1xi32> to vector<856x256xi32>
      %eq3A_87 = arith.cmpi eq, %iota3A_79, %eq3A_86 : vector<856x256xi32>
      %convert_element_type3A_88 = arith.extui %eq3A_87 : vector<856x256xi1> to vector<856x256xi32>
      %convert_element_type3A_89 = arith.sitofp %convert_element_type3A_88 : vector<856x256xi32> to vector<856x256xf32>
      %mul3A_90 = vector.broadcast %get3A_18 : vector<1x256xf32> to vector<856x256xf32>
      %mul3A_91 = arith.mulf %convert_element_type3A_85, %mul3A_90 : vector<856x256xf32>
      %reduce_sum3A_92 = arith.constant dense<0.000000e+00> : vector<856xf32>
      %reduce_sum3A_93 = vector.multi_reduction <add>, %mul3A_91, %reduce_sum3A_92 [1] : vector<856x256xf32> to vector<856xf32>
      %broadcast_in_dim3A_94 = vector.shape_cast %reduce_sum3A_93 : vector<856xf32> to vector<856x1xf32>
      %mul3A_95 = vector.broadcast %get3A_18 : vector<1x256xf32> to vector<856x256xf32>
      %mul3A_96 = arith.mulf %convert_element_type3A_89, %mul3A_95 : vector<856x256xf32>
      %reduce_sum3A_97 = arith.constant dense<0.000000e+00> : vector<856xf32>
      %reduce_sum3A_98 = vector.multi_reduction <add>, %mul3A_96, %reduce_sum3A_97 [1] : vector<856x256xf32> to vector<856xf32>
      %broadcast_in_dim3A_99 = vector.shape_cast %reduce_sum3A_98 : vector<856xf32> to vector<856x1xf32>
      %sub3A_100 = arith.subf %mul3A_70, %broadcast_in_dim3A_94 : vector<856x1xf32>
      %sub3A_101 = arith.subf %broadcast_in_dim3A_99, %broadcast_in_dim3A_94 : vector<856x1xf32>
      %div3A_102 = arith.divf %sub3A_100, %sub3A_101 : vector<856x1xf32>
      %min3A_103 = arith.constant 1.000000e+00 : f32
      %min3A_104 = vector.broadcast %min3A_103 : f32 to vector<856x1xf32>
      %min3A_105 = arith.minimumf %div3A_102, %min3A_104 : vector<856x1xf32>
      %gt3A = arith.constant 0.000000e+00 : f32
      %gt3A_106 = arith.cmpf ogt, %get3A_13, %gt3A : f32
      %lt3A = vector.broadcast %get3A_8 : f32 to vector<856x1xf32>
      %lt3A_107 = arith.cmpf olt, %mul3A_70, %lt3A : vector<856x1xf32>
      %and3A = vector.broadcast %gt3A_106 : i1 to vector<856x1xi1>
      %and3A_108 = arith.andi %and3A, %lt3A_107 : vector<856x1xi1>
      %max3A_109 = arith.constant 0.000000e+00 : f32
      %max3A_110 = vector.broadcast %max3A_109 : f32 to vector<856x1xf32>
      %max3A_111 = arith.maximumf %min3A_105, %max3A_110 : vector<856x1xf32>
      %select_n3A = arith.select %and3A_108, %min3A_105, %max3A_111 : vector<856x1xi1>, vector<856x1xf32>
      %sub3A_112 = arith.subf %convert_element_type3A_89, %convert_element_type3A_85 : vector<856x256xf32>
      %mul3A_113 = vector.broadcast %select_n3A : vector<856x1xf32> to vector<856x256xf32>
      %mul3A_114 = arith.mulf %mul3A_113, %sub3A_112 : vector<856x256xf32>
      %add3A_115 = arith.addf %convert_element_type3A_85, %mul3A_114 : vector<856x256xf32>
      %dot_general3A_116 = arith.constant dense<0.000000e+00> : vector<856x128xf32>
      %dot_general3A_117 = tpu.matmul %add3A_115, %dot_general3A_27, %dot_general3A_116 {dimension_numbers = #tpu.dot_dimension_numbers<[1], [0], [0], [1], [0, 0, 1, 1], [], []>, transpose_lhs_hint = false} : vector<856x256xf32>, vector<256x128xf32>, vector<856x128xf32> -> vector<856x128xf32>
      %get3A_118 = arith.constant 0 : index
      %get3A_119 = arith.constant 0 : index
      %get3A_120 = vector.load %arg5[%get3A_118, %get3A_119] : memref<1x128xf32, #tpu.memory_space<vmem>>, vector<1x128xf32>
      %add3A_121 = vector.broadcast %get3A_120 : vector<1x128xf32> to vector<856x128xf32>
      %add3A_122 = arith.addf %dot_general3A_117, %add3A_121 : vector<856x128xf32>
      %swap3A_123 = arith.constant 0 : index
      %swap3A_124 = arith.constant 856 : index
      %swap3A_125 = arith.constant 0 : index
      %swap3A_126 = vector.load %arg7[%swap3A_123, %swap3A_124, %swap3A_125] : memref<1x2568x128xf32, #tpu.memory_space<vmem>>, vector<1x856x128xf32>
      %swap3A_127 = vector.shape_cast %swap3A_126 : vector<1x856x128xf32> to vector<856x128xf32>
      %swap3A_128 = vector.shape_cast %add3A_122 : vector<856x128xf32> to vector<1x856x128xf32>
      tpu.vector_store %arg7[%swap3A_123, %swap3A_124, %swap3A_125], %swap3A_128 {strides = array<i32>} : memref<1x2568x128xf32, #tpu.memory_space<vmem>>, vector<1x856x128xf32>,
    } else {
    }
    %le3A_37 = arith.constant 1712 : i32
    %le3A_38 = arith.cmpi sle, %le3A_37, %convert_element_type3A : i32
    %convert_element_type3A_39 = arith.extui %le3A_38 : i1 to i32
    %cond3A_40 = arith.constant 0 : i32
    %cond3A_41 = arith.cmpi ne, %convert_element_type3A_39, %cond3A_40 : i32
    scf.if %cond3A_41 {
      %iota3A = tpu.iota {dimensions = array<i32: 0>} : vector<856x1xi32>
      %add3A_65 = arith.constant 1712 : i32
      %add3A_66 = vector.broadcast %add3A_65 : i32 to vector<856x1xi32>
      %add3A_67 = arith.addi %iota3A, %add3A_66 : vector<856x1xi32>
      %convert_element_type3A_68 = arith.sitofp %add3A_67 : vector<856x1xi32> to vector<856x1xf32>
      %mul3A_69 = vector.broadcast %get3A_3 : f32 to vector<856x1xf32>
      %mul3A_70 = arith.mulf %convert_element_type3A_68, %mul3A_69 : vector<856x1xf32>
      %le3A_71 = vector.broadcast %get3A_18 : vector<1x256xf32> to vector<856x256xf32>
      %le3A_72 = vector.broadcast %mul3A_70 : vector<856x1xf32> to vector<856x256xf32>
      %le3A_73 = arith.cmpf ole, %le3A_71, %le3A_72 : vector<856x256xf32>
      %convert_element_type3A_74 = arith.extui %le3A_73 : vector<856x256xi1> to vector<856x256xi32>
      %reduce_sum3A = arith.constant dense<0> : vector<856xi32>
      %reduce_sum3A_75 = vector.multi_reduction <add>, %convert_element_type3A_74, %reduce_sum3A [1] : vector<856x256xi32> to vector<856xi32>
      %broadcast_in_dim3A = vector.shape_cast %reduce_sum3A_75 : vector<856xi32> to vector<856x1xi32>
      %jit3A = arith.constant 1 : i32
      %jit3A_76 = arith.constant 255 : i32
      %max3A = vector.broadcast %jit3A : i32 to vector<856x1xi32>
      %max3A_77 = arith.maxsi %max3A, %broadcast_in_dim3A : vector<856x1xi32>
      %min3A = vector.broadcast %jit3A_76 : i32 to vector<856x1xi32>
      %min3A_78 = arith.minsi %min3A, %max3A_77 : vector<856x1xi32>
      %iota3A_79 = tpu.iota {dimensions = array<i32: 1>} : vector<856x256xi32>
      %sub3A_80 = arith.constant 1 : i32
      %sub3A_81 = vector.broadcast %sub3A_80 : i32 to vector<856x1xi32>
      %sub3A_82 = arith.subi %min3A_78, %sub3A_81 : vector<856x1xi32>
      %eq3A = vector.broadcast %sub3A_82 : vector<856x1xi32> to vector<856x256xi32>
      %eq3A_83 = arith.cmpi eq, %iota3A_79, %eq3A : vector<856x256xi32>
      %convert_element_type3A_84 = arith.extui %eq3A_83 : vector<856x256xi1> to vector<856x256xi32>
      %convert_element_type3A_85 = arith.sitofp %convert_element_type3A_84 : vector<856x256xi32> to vector<856x256xf32>
      %eq3A_86 = vector.broadcast %min3A_78 : vector<856x1xi32> to vector<856x256xi32>
      %eq3A_87 = arith.cmpi eq, %iota3A_79, %eq3A_86 : vector<856x256xi32>
      %convert_element_type3A_88 = arith.extui %eq3A_87 : vector<856x256xi1> to vector<856x256xi32>
      %convert_element_type3A_89 = arith.sitofp %convert_element_type3A_88 : vector<856x256xi32> to vector<856x256xf32>
      %mul3A_90 = vector.broadcast %get3A_18 : vector<1x256xf32> to vector<856x256xf32>
      %mul3A_91 = arith.mulf %convert_element_type3A_85, %mul3A_90 : vector<856x256xf32>
      %reduce_sum3A_92 = arith.constant dense<0.000000e+00> : vector<856xf32>
      %reduce_sum3A_93 = vector.multi_reduction <add>, %mul3A_91, %reduce_sum3A_92 [1] : vector<856x256xf32> to vector<856xf32>
      %broadcast_in_dim3A_94 = vector.shape_cast %reduce_sum3A_93 : vector<856xf32> to vector<856x1xf32>
      %mul3A_95 = vector.broadcast %get3A_18 : vector<1x256xf32> to vector<856x256xf32>
      %mul3A_96 = arith.mulf %convert_element_type3A_89, %mul3A_95 : vector<856x256xf32>
      %reduce_sum3A_97 = arith.constant dense<0.000000e+00> : vector<856xf32>
      %reduce_sum3A_98 = vector.multi_reduction <add>, %mul3A_96, %reduce_sum3A_97 [1] : vector<856x256xf32> to vector<856xf32>
      %broadcast_in_dim3A_99 = vector.shape_cast %reduce_sum3A_98 : vector<856xf32> to vector<856x1xf32>
      %sub3A_100 = arith.subf %mul3A_70, %broadcast_in_dim3A_94 : vector<856x1xf32>
      %sub3A_101 = arith.subf %broadcast_in_dim3A_99, %broadcast_in_dim3A_94 : vector<856x1xf32>
      %div3A_102 = arith.divf %sub3A_100, %sub3A_101 : vector<856x1xf32>
      %min3A_103 = arith.constant 1.000000e+00 : f32
      %min3A_104 = vector.broadcast %min3A_103 : f32 to vector<856x1xf32>
      %min3A_105 = arith.minimumf %div3A_102, %min3A_104 : vector<856x1xf32>
      %gt3A = arith.constant 0.000000e+00 : f32
      %gt3A_106 = arith.cmpf ogt, %get3A_13, %gt3A : f32
      %lt3A = vector.broadcast %get3A_8 : f32 to vector<856x1xf32>
      %lt3A_107 = arith.cmpf olt, %mul3A_70, %lt3A : vector<856x1xf32>
      %and3A = vector.broadcast %gt3A_106 : i1 to vector<856x1xi1>
      %and3A_108 = arith.andi %and3A, %lt3A_107 : vector<856x1xi1>
      %max3A_109 = arith.constant 0.000000e+00 : f32
      %max3A_110 = vector.broadcast %max3A_109 : f32 to vector<856x1xf32>
      %max3A_111 = arith.maximumf %min3A_105, %max3A_110 : vector<856x1xf32>
      %select_n3A = arith.select %and3A_108, %min3A_105, %max3A_111 : vector<856x1xi1>, vector<856x1xf32>
      %sub3A_112 = arith.subf %convert_element_type3A_89, %convert_element_type3A_85 : vector<856x256xf32>
      %mul3A_113 = vector.broadcast %select_n3A : vector<856x1xf32> to vector<856x256xf32>
      %mul3A_114 = arith.mulf %mul3A_113, %sub3A_112 : vector<856x256xf32>
      %add3A_115 = arith.addf %convert_element_type3A_85, %mul3A_114 : vector<856x256xf32>
      %dot_general3A_116 = arith.constant dense<0.000000e+00> : vector<856x128xf32>
      %dot_general3A_117 = tpu.matmul %add3A_115, %dot_general3A_27, %dot_general3A_116 {dimension_numbers = #tpu.dot_dimension_numbers<[1], [0], [0], [1], [0, 0, 1, 1], [], []>, transpose_lhs_hint = false} : vector<856x256xf32>, vector<256x128xf32>, vector<856x128xf32> -> vector<856x128xf32>
      %get3A_118 = arith.constant 0 : index
      %get3A_119 = arith.constant 0 : index
      %get3A_120 = vector.load %arg5[%get3A_118, %get3A_119] : memref<1x128xf32, #tpu.memory_space<vmem>>, vector<1x128xf32>
      %add3A_121 = vector.broadcast %get3A_120 : vector<1x128xf32> to vector<856x128xf32>
      %add3A_122 = arith.addf %dot_general3A_117, %add3A_121 : vector<856x128xf32>
      %swap3A_123 = arith.constant 0 : index
      %swap3A_124 = arith.constant 1712 : index
      %swap3A_125 = arith.constant 0 : index
      %swap3A_126 = vector.load %arg7[%swap3A_123, %swap3A_124, %swap3A_125] : memref<1x2568x128xf32, #tpu.memory_space<vmem>>, vector<1x856x128xf32>
      %swap3A_127 = vector.shape_cast %swap3A_126 : vector<1x856x128xf32> to vector<856x128xf32>
      %swap3A_128 = vector.shape_cast %add3A_122 : vector<856x128xf32> to vector<1x856x128xf32>
      tpu.vector_store %arg7[%swap3A_123, %swap3A_124, %swap3A_125], %swap3A_128 {strides = array<i32>} : memref<1x2568x128xf32, #tpu.memory_space<vmem>>, vector<1x856x128xf32>,
    } else {
    }
    %get3A_42 = arith.constant 0 : index
    %get3A_43 = arith.constant 0 : index
    %get3A_44 = arith.constant 0 : index
    %get3A_45 = vector.load %arg2[%get3A_42, %get3A_43, %get3A_44] : memref<1x256x1xf32, #tpu.memory_space<vmem>>, vector<1x256x1xf32>
    %get3A_46 = vector.shape_cast %get3A_45 : vector<1x256x1xf32> to vector<256x1xf32>
    %sub3A = vector.broadcast %get3A_46 : vector<256x1xf32> to vector<256x256xf32>
    %sub3A_47 = vector.broadcast %get3A_18 : vector<1x256xf32> to vector<256x256xf32>
    %sub3A_48 = arith.subf %sub3A, %sub3A_47 : vector<256x256xf32>
    %mul3A = arith.constant 5.000000e-01 : f32
    %mul3A_49 = vector.broadcast %mul3A : f32 to vector<256x256xf32>
    %mul3A_50 = arith.mulf %sub3A_48, %mul3A_49 : vector<256x256xf32>
    %add3A = vector.broadcast %get3A_18 : vector<1x256xf32> to vector<256x256xf32>
    %add3A_51 = arith.addf %add3A, %mul3A_50 : vector<256x256xf32>
    %div3A_52 = arith.constant 1.000000e-01 : f32
    %div3A_53 = vector.broadcast %div3A_52 : f32 to vector<256x256xf32>
    %div3A_54 = arith.divf %add3A_51, %div3A_53 : vector<256x256xf32>
    %convert_element_type3A_55 = arith.fptosi %div3A_54 : vector<256x256xf32> to vector<256x256xi32>
    %mul3A_56 = arith.constant 2568 : i32
    %mul3A_57 = arith.muli %arg0, %mul3A_56 : i32
    %add3A_58 = vector.broadcast %mul3A_57 : i32 to vector<256x256xi32>
    %add3A_59 = arith.addi %add3A_58, %convert_element_type3A_55 : vector<256x256xi32>
    %swap3A = arith.constant 0 : index
    %swap3A_60 = arith.constant 0 : index
    %swap3A_61 = arith.constant 0 : index
    %swap3A_62 = vector.load %arg8[%swap3A, %swap3A_60, %swap3A_61] : memref<1x256x256xi32, #tpu.memory_space<vmem>>, vector<1x256x256xi32>
    %swap3A_63 = vector.shape_cast %swap3A_62 : vector<1x256x256xi32> to vector<256x256xi32>
    %swap3A_64 = vector.shape_cast %add3A_59 : vector<256x256xi32> to vector<1x256x256xi32>
    tpu.vector_store %arg8[%swap3A, %swap3A_60, %swap3A_61], %swap3A_64 {strides = array<i32>} : memref<1x256x256xi32, #tpu.memory_space<vmem>>, vector<1x256x256xi32>,
    return
  }
  func.func @transform_0(%arg0: i32) -> (i32, i32, i32) {
    %c0_i32 = arith.constant 0 : i32
    %c0_i32_0 = arith.constant 0 : i32
    %c0_i32_1 = arith.constant 0 : i32
    return %arg0, %c0_i32, %c0_i32_0 : i32, i32, i32
  }
  func.func @transform_1(%arg0: i32) -> (i32, i32, i32) {
    %c0_i32 = arith.constant 0 : i32
    %c0_i32_0 = arith.constant 0 : i32
    %c0_i32_1 = arith.constant 0 : i32
    return %arg0, %c0_i32, %c0_i32_0 : i32, i32, i32
  }
  func.func @transform_2(%arg0: i32) -> (i32, i32, i32) {
    %c0_i32 = arith.constant 0 : i32
    %c0_i32_0 = arith.constant 0 : i32
    %c0_i32_1 = arith.constant 0 : i32
    return %arg0, %c0_i32, %c0_i32_0 : i32, i32, i32
  }
  func.func @transform_3(%arg0: i32) -> (i32, i32) {
    %c0_i32 = arith.constant 0 : i32
    %c0_i32_0 = arith.constant 0 : i32
    %c0_i32_1 = arith.constant 0 : i32
    return %c0_i32, %c0_i32_0 : i32, i32
  }
  func.func @transform_4(%arg0: i32) -> (i32, i32) {
    %c0_i32 = arith.constant 0 : i32
    %c0_i32_0 = arith.constant 0 : i32
    %c0_i32_1 = arith.constant 0 : i32
    return %c0_i32, %c0_i32_0 : i32, i32
  }
  func.func @transform_5(%arg0: i32) -> (i32, i32, i32) {
    %c0_i32 = arith.constant 0 : i32
    %c0_i32_0 = arith.constant 0 : i32
    %c0_i32_1 = arith.constant 0 : i32
    return %arg0, %c0_i32, %c0_i32_0 : i32, i32, i32
  }
  func.func @transform_6(%arg0: i32) -> (i32, i32, i32) {
    %c0_i32 = arith.constant 0 : i32
    %c0_i32_0 = arith.constant 0 : i32
    %c0_i32_1 = arith.constant 0 : i32
    return %arg0, %c0_i32, %c0_i32_0 : i32, i32, i32
  }
  func.func @transform_7(%arg0: i32) -> (i32, i32, i32) {
    %c0_i32 = arith.constant 0 : i32
    %c0_i32_0 = arith.constant 0 : i32
    %c0_i32_1 = arith.constant 0 : i32
    return %arg0, %c0_i32, %c0_i32_0 : i32, i32, i32
  }
}

</mosaic_0001>

<sc_bundles>
// kernel: kernel.4.cloned.1.call-start
scs
__scs_entry_jumppad:
0x0: {  	(pc) =	sbr.rel $0x88, $3  }
0x1: {  	(tag) =	ssettag $0x0;
	lr =	simm.s32 $0x1  }
0x2: {  	[smem:$0x3F9D] =	sst lr;
	_ =	strace $0xD0000000  }
0x3: {  	_ = 	snop  }
0x4: {  	_ = 	snop  }
0x5: {  	_ = 	snop  }
0x6: {  	_ = 	snop  }
0x7: {  	_ = 	snop  }
__scs_overlays_trampoline_lowered:
0x8: {  	[smem:$0x3FAC] =	sst s0  }
0x9: {  	[smem:$0x3FAD] =	sst s1  }
0xa: {  	[smem:$0x3FAE] =	sst s2  }
0xb: {  	[smem:$0x3FAF] =	sst s3  }
0xc: {  	[smem:$0x3FB0] =	sst s4  }
0xd: {  	[smem:$0x3FB1] =	sst s5  }
0xe: {  	[smem:$0x3FB2] =	sst s6  }
0xf: {  	[smem:$0x3FB3] =	sst s7  }
0x10: {  	[smem:$0x3FB4] =	sst s8  }
0x11: {  	[smem:$0x3FB5] =	sst s9;
	s0 =	simm.s32 @!p0 $0x0  }
0x12: {  	s1 =	sld [smem:$0x3F9B];
	s0 =	simm.s32 @p0 $0x1  }
0x13: {  	[smem:$0x3FB6] =	sst s0;
	s0 =	simm.s32 @!p1 $0x0  }
0x14: {  	s2 =	sld [smem:$0x3F9A];
	s0 =	simm.s32 @p1 $0x1  }
0x15: {  	[smem:$0x3FB7] =	sst s0;
	s0 =	simm.s32 @!p2 $0x0  }
0x16: {  	s3 =	sld [smem:$0x3FDB];
	s0 =	simm.s32 @p2 $0x1  }
0x17: {  	s4 =	simm.s32 $0x1BF5;
	[smem:$0x3FB9] =	sst s0  }
0x18: {  	s0 =	sld [smem:$0x3F9C];
	_ =	swait.ge [sflag:s4], $0x0  }
0x19: {  	s7 =	sld [smem:$0x3F9D]  }
0x1a: {  	s8 =	sadd.s32 $0xFFFFE003, lr  }
0x1b: {  	s9 =	sadd.s32 $0xFFFFFEF7, lr;
	s5 =	simm.s32 $0xFFFFFFFF;
	p2 =	slt.u32 s8, $0xFFFFF086  }
0x1c: {  	p1 =	slt.u32 s9, $0xF7A;
	s5 =	simm.s32 @!p2 $0x0  }
0x1d: {  	s5 =	simm.s32 @p1 $0x1;
	p0 =	seq.s32 s7, s2  }
0x1e: {  	s7 =	smul.u32 @!p0 $0xF7A, s2;
	p2 =	seq.s32 @!p0 s5, $0x0  }
0x1f: {  	s9 =	smul.u32 $0xF7A, s1;
	s8 =	simm.s32 @!p0 $0x1BF5;
	p2 =	por !p2, p0  }
0x20: {  	[sflag:s8] =	ssyncset.s32 @!p0 $0xFFFFF086;
	s6 =	sadd.s32 @!p0 s3, s7;
	s7 =	simm.s32 @!p0 $0x108  }
0x21: {  	s3 =	sadd.s32 s3, s9;
	s6 =	sadd.s32 @!p0 $0x88, s6;
	s7 =	simm.s32 @p2 $0x1082  }
0x22: {  	[simem:s7], [sflag:s8] =	dma.local @!p0 [hbm:s6], $0xF7A  }
0x23: {  	s9 =	sor.u32 $0xD0000000, s2;
	s6 =	simm.s32 $0x108;
	_ =	swait.ge @!p0 [sflag:s8], $0x0  }
0x24: {  	s3 =	sadd.s32 $0x88, s3;
	s6 =	simm.s32 @!p1 $0x1082;
	[sflag:s4] =	ssyncset.s32 $0xFFFFF086  }
0x25: {  	[simem:s6], [sflag:s4] =	dma.local [hbm:s3], $0xF7A  }
0x26: {  	[smem:$0x3F9D] =	sst s1;
	(tag) =	ssettag s2;
	_ =	strace s9  }
0x27: {  	s1 =	sld [smem:$0x3FAD]  }
0x28: {  	s2 =	sld [smem:$0x3FAE]  }
0x29: {  	s4 =	sld [smem:$0x3FB0]  }
0x2a: {  	p0 =	seq.s32 s5, $0x0;
	s5 =	sld [smem:$0x3FB1]  }
0x2b: {  	s6 =	sld [smem:$0x3FB2]  }
0x2c: {  	s7 =	sld [smem:$0x3FB3]  }
0x2d: {  	s3 =	simm.s32 $0x108;
	s8 =	sld [smem:$0x3FB4]  }
0x2e: {  	s3 =	simm.s32 @!p0 $0x1082;
	s9 =	sld [smem:$0x3FB5]  }
0x2f: {  	lr =	sadd.s32 s0, s3;
	s0 =	sld [smem:$0x3FAC]  }
0x30: {  	s3 =	sld [smem:$0x3FAF]  }
0x31: {  	[smem:$0x3FB8] =	sst s10  }
0x32: {  	s10 =	sld [smem:$0x3FB6];
	_ =	sdelay $0x3  }
0x33: {  	p0 =	seq.s32 s10, $0x1;
	s10 =	sld [smem:$0x3FB8];
	_ =	sdelay $0x3  }
0x34: {  	[smem:$0x3FB8] =	sst s10  }
0x35: {  	s10 =	sld [smem:$0x3FB7];
	_ =	sdelay $0x3  }
0x36: {  	p1 =	seq.s32 s10, $0x1;
	s10 =	sld [smem:$0x3FB8];
	_ =	sdelay $0x3  }
0x37: {  	[smem:$0x3FB8] =	sst s10  }
0x38: {  	s10 =	sld [smem:$0x3FB9]  }
0x39: {  	_ = 	snop;
	(pc) =	sbr.ind lr, $3  }
0x3a: {  	_ = 	snop  }
0x3b: {  	_ = 	snop  }
0x3c: {  	p2 =	seq.s32 s10, $0x1;
	s10 =	sld [smem:$0x3FB8]  }
0x3d: {  	_ =	shalt  }
0x3e: {  	_ =	shalt  }
0x3f: {  	_ =	shalt  }
0x40: {  	_ =	shalt  }
0x41: {  	_ =	shalt  }
0x42: {  	_ =	shalt  }
0x43: {  	_ =	shalt  }
0x44: {  	_ =	shalt  }
0x45: {  	_ =	shalt  }
0x46: {  	_ =	shalt  }
0x47: {  	_ =	shalt  }
0x48: {  	_ =	shalt  }
0x49: {  	_ =	shalt  }
0x4a: {  	_ =	shalt  }
0x4b: {  	_ =	shalt  }
0x4c: {  	_ =	shalt  }
0x4d: {  	_ =	shalt  }
0x4e: {  	_ =	shalt  }
0x4f: {  	_ =	shalt  }
0x50: {  	_ =	shalt  }
0x51: {  	_ =	shalt  }
0x52: {  	_ =	shalt  }
0x53: {  	_ =	shalt  }
0x54: {  	_ =	shalt  }
0x55: {  	_ =	shalt  }
0x56: {  	_ =	shalt  }
0x57: {  	_ =	shalt  }
0x58: {  	_ =	shalt  }
0x59: {  	_ =	shalt  }
0x5a: {  	_ =	shalt  }
0x5b: {  	_ =	shalt  }
0x5c: {  	_ =	shalt  }
0x5d: {  	_ =	shalt  }
0x5e: {  	_ =	shalt  }
0x5f: {  	_ =	shalt  }
0x60: {  	_ =	shalt  }
0x61: {  	_ =	shalt  }
0x62: {  	_ =	shalt  }
0x63: {  	_ =	shalt  }
0x64: {  	_ =	shalt  }
0x65: {  	_ =	shalt  }
0x66: {  	_ =	shalt  }
0x67: {  	_ =	shalt  }
0x68: {  	_ =	shalt  }
0x69: {  	_ =	shalt  }
0x6a: {  	_ =	shalt  }
0x6b: {  	_ =	shalt  }
0x6c: {  	_ =	shalt  }
0x6d: {  	_ =	shalt  }
0x6e: {  	_ =	shalt  }
0x6f: {  	_ =	shalt  }
0x70: {  	_ =	shalt  }
0x71: {  	_ =	shalt  }
0x72: {  	_ =	shalt  }
0x73: {  	_ =	shalt  }
0x74: {  	_ =	shalt  }
0x75: {  	_ =	shalt  }
0x76: {  	_ =	shalt  }
0x77: {  	_ =	shalt  }
0x78: {  	_ =	shalt  }
0x79: {  	_ =	shalt  }
0x7a: {  	_ =	shalt  }
0x7b: {  	_ =	shalt  }
0x7c: {  	_ =	shalt  }
0x7d: {  	_ =	shalt  }
0x7e: {  	_ =	shalt  }
0x7f: {  	_ =	shalt  }
0x80: {  	_ =	shalt  }
0x81: {  	_ =	shalt  }
0x82: {  	_ =	shalt  }
0x83: {  	_ =	shalt  }
0x84: {  	_ =	shalt  }
0x85: {  	_ =	shalt  }
0x86: {  	_ =	shalt  }
0x87: {  	_ =	shalt  }
.Lfunc_end0:
.L_simem_size_0:
called_computation_lowered:
.L_overlay_start_0:
0x88: {  	s2 =	sld [smem:$0x3FD9]  }
0x89: {  	s3 =	sld [smem:$0x3FFE];
	_ =	sdelay $0x1  }
0x8a: {  	s1 =	srdreg.scid  }
0x8b: {  	s0 =	sand.u32 $0x1, s1  }
0x8c: {  	s17 =	sshll.u32 s0, $0xA;
	s2 =	sadd.s32 s3, s2  }
0x8d: {  	s2 =	sadd.s32 s2, s17  }
0x8e: {  	[smem:$0x3FC4] =	sst s2  }
0x8f: {  	_ = 	snop  }
0x90: {  	s2 =	sld [smem:$0x3FD0];
	(tm) =	ssettm $0x1  }
0x91: {  	s18 =	sld [smem:$0x3FFB];
	_ =	sdelay $0x3  }
0x92: {  	_ =	strace s18  }
0x93: {  	s3 =	sld [smem:$0x3FFC];
	_ =	sdelay $0x3  }
0x94: {  	_ =	strace s3  }
0x95: {  	s3 =	sld [smem:$0x3FFD];
	_ =	sdelay $0x3  }
0x96: {  	_ =	strace s3  }
0x97: {  	_ =	strace $0x8FFFFFFF  }
0x98: {  	s19 =	sld [smem:$0x3FDB];
	_ =	sdelay $0x1  }
0x99: {  	s4 =	simm.s32 $_scs_section_size  }
0x9a: {  	s5 =	simm.s32 $_size__tile_overlayer_lowered;
	s6 =	simm.s32 $_tile_overlayer_lowered  }
0x9b: {  	s22 =	simm.s32 $0x1BFF;
	s21 =	sshll.u32 s6, $0x1;
	s3 =	sadd.s32 s4, s19  }
0x9c: {  	s7 =	simm.s32 $0x0;
	s20 =	sshll.u32 s5, $0x1;
	s5 =	sadd.s32 s21, s3  }
0x9d: {  	[timem:s7], [sflag:s22] =	dma.local [hbm:s5], s20  }
0x9e: {  	_ =	swait.ge [sflag:s22], s20  }
0x9f: {  	s4 =	ssub.s32 $0x0, s20;
	[sflag:s22] =	ssyncset.done $0x0  }
0xa0: {  	[sflag:s22] =	ssyncadd.s32 s4;
	_ =	sdelay $0x1  }
0xa1: {  	s23 =	simm.s32 $0x1B8B  }
0xa2: {  	_ =	swait.ge [sflag:s23], $0x1  }
0xa3: {  	[sflag:s23] =	ssyncset.done $0x0  }
0xa4: {  	s25 =	simm.s32 $0x1B8E;
	s24 =	sld [smem:$0x3FFE];
	[sflag:s23] =	ssyncadd.s32 $0xFFFFFFFF  }
0xa5: {  	s26 =	simm.s32 $execute0_lowered;
	[smem:$0x3FD2] =	sst s25  }
0xa6: {  	s5 =	sshll.u32 s26, $0x1;
	_ =	strace $0x80000046;
	[dreg:$0x1] =	wrdreg $0xFFFFFFFF  }
0xa7: {  	s28 =	simm.s32 $_size_execute0_lowered;
	s3 =	sadd.s32 s3, s5;
	[dreg:$0x0] =	wrdreg $0x0  }
0xa8: {  	s5 =	sshll.u32 s28, $0x1;
	[dreg:$0x2] =	wrdreg s3  }
0xa9: {  	[dreg:$0x3] =	wrdreg s5  }
0xaa: {  	[dreg:$0x4] =	wrdreg $0xC0  }
0xab: {  	_ =	task [dreg:s7], $0x5FFFF  }
0xac: {  	[dreg:$0x1] =	wrdreg $0xFFFFFFFF  }
0xad: {  	[dreg:$0x0] =	wrdreg $0x60  }
0xae: {  	[dreg:$0x2] =	wrdreg s24  }
0xaf: {  	[dreg:$0x3] =	wrdreg s2  }
0xb0: {  	[dreg:$0x4] =	wrdreg $0x20000  }
0xb1: {  	[dreg:$0x5] =	wrdreg $0x9  }
0xb2: {  	_ =	task.clear_ibuf [dreg:s7], $0x6FFFF;
	_ =	strace $0x90000046  }
0xb3: {  	s29 =	simm.s32 $0x9;
	_ =	strace $0x80000048  }
0xb4: {  	_ =	swait.ge [sflag:s29], $0x1  }
0xb5: {  	[sflag:s29] =	ssyncadd.s32 $0xFFFFFFFF  }
0xb6: {  	_ =	strace $0x90000048  }
0xb7: {  	_ =	sfence  }
0xb8: {  	s30 =	sld [smem:$0x0];
	_ =	sdelay $0x2  }
0xb9: {  	s31 =	sshll.u32 s1, $0xD;
	s1 =	sshrl.u32 s1, $0x2  }
0xba: {  	s3 =	sand.u32 $0x4000, s31;
	s1 =	sadd.s32 s1, s30  }
0xbb: {  	s0 =	sor.u32 s3, s0;
	s1 =	sshll.u32 s1, $0x11  }
0xbc: {  	s0 =	sor.u32 s1, s0  }
0xbd: {  	s0 =	sadd.s32 $0x8F2B, s0  }
0xbe: {  	[sflag:s0] =	ssyncadd.remote.s32 $0x1  }
0xbf: {  	_ =	sfence.sel $0xFFFF  }
0xc0: {  	[dreg:$0x0] =	wrdreg $0xFFFFFFFF;
	(pc) =	sbr.abs _section_cstart, $3  }
0xc1: {  	[dreg:$0x1] =	wrdreg $0xFFFFFFFF  }
0xc2: {  	_ =	task.clear_ibuf [dreg:s7], $0x2FFFF;
	_ =	strace $0x9FFFFFFF  }
0xc3: {  	(tm) =	ssettm $0x7FFFFFFF  }
tec
execute0_lowered:
.L_overlay_start_1:
0x0: {  	(tag) =	ssettag $0x1  }
0x1: {  	s6 =	rddreg [dreg:$0x0]  }
0x2: {  	s11 =	rddreg [dreg:$0x1]  }
0x3: {  	s1 =	rddreg [dreg:$0x2]  }
0x4: {  	s0 =	rddreg [dreg:$0x3];
	s3 =	simm.s32 $0x0;
	s4 =	srdreg.scid  }
0x5: {  	s2 =	stileid.u32;
	s17 =	simm.s32 $0x80;
	s18 =	simm.s32 $0x16100  }
0x6: {  	s19 =	simm.s32 $0x1;
	s20 =	simm.s32 $0x1A100;
	s21 =	simm.s32 $0x2  }
0x7: {  	s22 =	simm.s32 $0x3;
	s23 =	simm.s32 $0x100;
	s24 =	simm.s32 $0x4  }
0x8: {  	s25 =	simm.s32 $0x1F80;
	s26 =	simm.s32 $0x0;
	[smem:$0x7FF] =	sst s3  }
0x9: {  	s12 =	sand.u32 $0x1, s4;
	s29 =	smul.u32 $0x2800, s2;
	s5 =	sshll.u32 s2, $0xE  }
0xa: {  	s30 =	smul.u32 $0x50000, s2;
	s31 =	sshll.u32 s2, $0x6;
	s16 =	sadd.s32 $0x140000, s1  }
0xb: {  	s13 =	sshll.u32 s2, $0x12;
	p0 =	sne.s32 s2, $0xF;
	s7 =	sshll.u32 s12, $0xD  }
0xc: {  	_ =	strace $0x80000047;
	s9 =	ssub.s32 $0x2, s12;
	s13 =	sadd.s32 s13, s11  }
0xd: {  	s15 =	sshll.u32 s12, $0x11;
	s16 =	sshrl.u32 @!p0 s16, $0x3;
	s8 =	sor.u32 s7, s5  }
0xe: {  	s4 =	sadd.s32 s29, s6;
	s10 =	sshrl.u32 s9, $0x1;
	s5 =	sshrl.u32 s30, $0x2  }
0xf: {  	s13 =	sadd.s32 s15, s13;
	s15 =	simm.s32 $0x5;
	s7 =	sshrl.u32 s8, $0x3  }
0x10: {  	s9 =	ssub.s32 s9, s10;
	s14 =	sadd.s32 s5, s1;
	s4 =	sadd.s32 $0x600, s4  }
0x11: {  	s5 =	sor.u32 $0x1C05, s31;
	s8 =	sshll.u32 s8, $0x4;
	s13 =	sadd.s32 $0x1000, s13  }
0x12: {  	s7 =	sadd.s32 s7, s6;
	s6 =	sadd.s32 $0x28600, s6;
	s8 =	sadd.s32 s11, s8  }
0x13: {  	s9 =	smax.u32 s9, $0x1;
	s14 =	sshrl.u32 s14, $0x3;
	s7 =	sadd.s32 $0x28800, s7  }
0x14: {  	s10 =	sadd.s32 $0x800, s8;
	s11 =	sadd.s32 $0x1F000, s8;
	s12 =	sadd.s32 $0x1F800, s8  }
.LBB2_1:
0x15: {  	[spmem:s14], [sflag:s5] =	dma.local [hbm:s4], $0x2800  }
0x16: {  	_ =	swait.ge [sflag:s15], $0x2800  }
0x17: {  	[sflag:s15] =	ssyncset.done $0x0  }
0x18: {  	s28 =	simm.s32 @!p0 $0x5;
	[sflag:s15] =	ssyncadd.s32 $0xFFFFD800  }
0x19: {  	[spmem:s16], [sflag:s5] =	dma.local @!p0 [hbm:s6], $0x200  }
0x1a: {  	_ =	swait.ge @!p0 [sflag:s28], $0x200  }
0x1b: {  	[sflag:s28] =	ssyncset.done @!p0 $0x0  }
0x1c: {  	[sflag:s28] =	ssyncadd.s32 @!p0 $0xFFFFFE00  }
0x1d: {  	[tilespmem:s3], [sflag:$0x5] =	stream.linear.gather [hbm4b:s7+s3], $0x2000, $0x38;
	[tilespmem:$0x1E100] =	vst v63  }
0x1e: {  	_ =	swait.ge [sflag:s15], $0x2000  }
0x1f: {  	[sflag:s15] =	ssyncset.done $0x0  }
0x20: {  	[sflag:s15] =	ssyncadd.s32 $0xFFFFE000  }
0x21: {  	[bflag:$0x0] =	sbarrier.arrive $0xFFFF  }
0x22: {  	[tilespmem:s18], [sflag:$0x1] =	stream.indirect.gather [spmem:s1], $0x80, s3, s17, $0xb8;
	[tilespmem:$0x1E100] =	vst v63  }
0x23: {  	_ =	swait.ge [sflag:s19], $0x4000  }
0x24: {  	[sflag:s19] =	ssyncset.done $0x0  }
0x25: {  	[sflag:s19] =	ssyncadd.s32 $0xFFFFC000  }
0x26: {  	[tilespmem:s20], [sflag:$0x2] =	stream.indirect.gather [spmem:s1], $0x80, s17, s17, $0xb8;
	[tilespmem:$0x1E100] =	vst v63  }
0x27: {  	_ = 	snop  }
0x28: {  	[hbm4b:s8+s3] =	stream.linear.scatter [tilespmem:s18], [sflag:$0x3], $0x4000, $0x38;
	[tilespmem:$0x1E100] =	vst v63  }
0x29: {  	_ =	swait.ge [sflag:s21], $0x4000  }
0x2a: {  	[sflag:s21] =	ssyncset.done $0x0  }
0x2b: {  	[sflag:s21] =	ssyncadd.s32 $0xFFFFC000  }
0x2c: {  	_ =	swait.ge [sflag:s22], $0x4000  }
0x2d: {  	[sflag:s22] =	ssyncset.done $0x0  }
0x2e: {  	[sflag:s22] =	ssyncadd.s32 $0xFFFFC000  }
0x2f: {  	[tilespmem:s18], [sflag:$0x1] =	stream.indirect.gather [spmem:s1], $0x80, s23, s17, $0xb8;
	[tilespmem:$0x1E100] =	vst v63  }
0x30: {  	_ = 	snop  }
0x31: {  	[hbm4b:s10+s3] =	stream.linear.scatter [tilespmem:s20], [sflag:$0x4], $0x4000, $0x38;
	[tilespmem:$0x1E100] =	vst v63  }
0x32: {  	_ =	swait.ge [sflag:s19], $0x4000  }
0x33: {  	[sflag:s19] =	ssyncset.done $0x0  }
0x34: {  	[sflag:s19] =	ssyncadd.s32 $0xFFFFC000  }
0x35: {  	_ =	swait.ge [sflag:s24], $0x4000  }
0x36: {  	[sflag:s24] =	ssyncset.done $0x0  }
0x37: {  	s28 =	simm.s32 $0x180;
	[sflag:s24] =	ssyncadd.s32 $0xFFFFC000  }
0x38: {  	[tilespmem:s20], [sflag:$0x2] =	stream.indirect.gather [spmem:s1], $0x80, s28, s17, $0xb8;
	[tilespmem:$0x1E100] =	vst v63  }
0x39: {  	_ = 	snop  }
0x3a: {  	[hbm4b:s13+s3] =	stream.linear.scatter [tilespmem:s18], [sflag:$0x3], $0x4000, $0x38;
	[tilespmem:$0x1E100] =	vst v63  }
0x3b: {  	_ =	swait.ge [sflag:s21], $0x4000  }
0x3c: {  	[sflag:s21] =	ssyncset.done $0x0  }
0x3d: {  	[sflag:s21] =	ssyncadd.s32 $0xFFFFC000  }
0x3e: {  	_ =	swait.ge [sflag:s22], $0x4000  }
0x3f: {  	[sflag:s22] =	ssyncset.done $0x0  }
0x40: {  	s28 =	simm.s32 $0x200;
	[sflag:s22] =	ssyncadd.s32 $0xFFFFC000  }
0x41: {  	[tilespmem:s18], [sflag:$0x1] =	stream.indirect.gather [spmem:s1], $0x80, s28, s17, $0xb8;
	[tilespmem:$0x1E100] =	vst v63  }
0x42: {  	s30 =	sadd.s32 $0x800, s13;
	s29 =	sadd.s32 $0x1000, s13;
	s28 =	simm.s32 $0x400  }
.LBB2_2:
0x43: {  	[hbm4b:s30+s3] =	stream.linear.scatter [tilespmem:s20], [sflag:$0x4], $0x4000, $0x38;
	[tilespmem:$0x1E100] =	vst v63  }
0x44: {  	s30 =	smov.u32 s28  }
0x45: {  	p1 =	sne.s32 s28, $0x7400;
	s28 =	sadd.s32 $0x400, s28;
	_ =	swait.ge [sflag:s19], $0x4000  }
0x46: {  	[sflag:s19] =	ssyncset.done $0x0  }
0x47: {  	[sflag:s19] =	ssyncadd.s32 $0xFFFFC000  }
0x48: {  	_ =	swait.ge [sflag:s24], $0x4000  }
0x49: {  	s30 =	sshra.s32 s30, $0x2;
	[sflag:s24] =	ssyncset.done $0x0  }
0x4a: {  	s31 =	sadd.s32 $0x180, s30;
	[sflag:s24] =	ssyncadd.s32 $0xFFFFC000  }
0x4b: {  	[tilespmem:s20], [sflag:$0x2] =	stream.indirect.gather [spmem:s1], $0x80, s31, s17, $0xb8;
	[tilespmem:$0x1E100] =	vst v63  }
0x4c: {  	_ = 	snop  }
0x4d: {  	[hbm4b:s29+s3] =	stream.linear.scatter [tilespmem:s18], [sflag:$0x3], $0x4000, $0x38;
	[tilespmem:$0x1E100] =	vst v63  }
0x4e: {  	_ =	swait.ge [sflag:s21], $0x4000  }
0x4f: {  	[sflag:s21] =	ssyncset.done $0x0  }
0x50: {  	[sflag:s21] =	ssyncadd.s32 $0xFFFFC000  }
.Ltmp0:
0x51: {  	_ =	swait.ge [sflag:s22], $0x4000;
	(pc) =	sbr.rel @p1 .LBB2_2-.Ltmp0, $4  }
0x52: {  	[sflag:s22] =	ssyncset.done $0x0  }
0x53: {  	s30 =	sadd.s32 $0x200, s30;
	[sflag:s22] =	ssyncadd.s32 $0xFFFFC000  }
0x54: {  	[tilespmem:s18], [sflag:$0x1] =	stream.indirect.gather [spmem:s1], $0x80, s30, s17, $0xb8;
	[tilespmem:$0x1E100] =	vst v63  }
0x55: {  	s30 =	sadd.s32 $0x800, s29;
	s29 =	sadd.s32 $0x1000, s29  }
0x56: {  	[hbm4b:s30+s3] =	stream.linear.scatter [tilespmem:s20], [sflag:$0x4], $0x4000, $0x38;
	[tilespmem:$0x1E100] =	vst v63  }
0x57: {  	_ =	swait.ge [sflag:s19], $0x4000  }
0x58: {  	[sflag:s19] =	ssyncset.done $0x0  }
0x59: {  	[sflag:s19] =	ssyncadd.s32 $0xFFFFC000  }
0x5a: {  	_ =	swait.ge [sflag:s24], $0x4000  }
0x5b: {  	[sflag:s24] =	ssyncset.done $0x0  }
0x5c: {  	[sflag:s24] =	ssyncadd.s32 $0xFFFFC000  }
0x5d: {  	[tilespmem:s20], [sflag:$0x2] =	stream.indirect.gather [spmem:s1], $0x80, s25, s17, $0xb8;
	[tilespmem:$0x1E100] =	vst v63  }
0x5e: {  	_ = 	snop  }
0x5f: {  	[hbm4b:s11+s3] =	stream.linear.scatter [tilespmem:s18], [sflag:$0x3], $0x4000, $0x38;
	[tilespmem:$0x1E100] =	vst v63  }
0x60: {  	_ =	swait.ge [sflag:s21], $0x4000  }
0x61: {  	[sflag:s21] =	ssyncset.done $0x0  }
0x62: {  	s26 =	sadd.s32 $0x1, s26;
	[sflag:s21] =	ssyncadd.s32 $0xFFFFC000  }
0x63: {  	[hbm4b:s12+s3] =	stream.linear.scatter [tilespmem:s20], [sflag:$0x4], $0x4000, $0x38;
	[tilespmem:$0x1E100] =	vst v63  }
0x64: {  	p1 =	sne.s32 s26, s9;
	_ =	swait.ge [sflag:s22], $0x4000  }
.Ltmp1:
0x65: {  	[sflag:s22] =	ssyncset.done $0x0;
	(pc) =	sbr.rel @p1 .LBB2_1-.Ltmp1, $4  }
0x66: {  	[sflag:s22] =	ssyncadd.s32 $0xFFFFC000  }
0x67: {  	_ =	swait.ge [sflag:s24], $0x4000  }
0x68: {  	[sflag:s24] =	ssyncset.done $0x0  }
0x69: {  	[sflag:s24] =	ssyncadd.s32 $0xFFFFC000  }
0x6a: {  	_ =	sfence.sel $0x180000  }
0x6b: {  	[bflag:$0x0] =	sbarrier.arrive $0xFFFF  }
0x6c: {  	p0 =	sne.s32 s2, $0x0;
	_ =	strace $0x90000047  }
0x6d: {  	s0 =	sadd.s32 @!p0 $0x100000, s0;
	[bflag:$0x2] =	sbarrier.arrive $0xFFFF  }
0x6e: {  	[sflag:s0] =	ssyncadd.tile.s32 @!p0 $0x1;
	_ =	shalt  }
.Lfunc_end2:
_tile_overlayer_lowered:
.L_overlay_start_2:
0x6f: {  	(tag) =	ssettag $0x2  }
0x70: {  	s0 =	rddreg [dreg:$0x0];
	s2 =	stileid.u32  }
0x71: {  	s1 =	rddreg [dreg:$0x1];
	p0 =	sne.s32 s2, $0x0  }
0x72: {  	s3 =	rddreg [dreg:$0x2];
	[bflag:$0x3] =	sbarrier.arrive $0xFFFF;
	s2 =	simm.s32 @!p0 $0x1C05  }
0x73: {  	[timem:s3], [sflag:s2] =	dma.local @!p0 [hbm:s0], s1  }
0x74: {  	s0 =	simm.s32 @!p0 $0x5  }
0x75: {  	_ =	swait.ge @!p0 [sflag:s0], s1  }
0x76: {  	s1 =	ssub.s32 @!p0 $0x0, s1;
	[sflag:s0] =	ssyncset.done @!p0 $0x0  }
0x77: {  	[sflag:s0] =	ssyncadd.s32 @!p0 s1  }
0x78: {  	[bflag:$0x3] =	sbarrier.arrive $0xFFFF  }
0x79: {  	_ =	shalt  }

</sc_bundles>
